<compile_context>
chip_gen: v7x
topology: tpu7x:2x2x1
jax: 0.10.2.dev20260603
libtpu: 0.0.44.dev20260713+nightly
codegen_flags: <defaults>
</compile_context>

<pallas_src>
import jax
import jax.numpy as jnp
from jax import lax
from jax.experimental import pallas as pl
from jax.experimental.pallas import tpu as pltpu
from jax.experimental.pallas import tpu_sc as plsc

_NC = 2
_NS = 16
_NW = _NC * _NS
_L = 16

_N = 16384 * 128
_PER_W = _N // _NW
_CHUNK = 8192
_NCHUNK = _PER_W // _CHUNK


_TABLE = 1000000


def _body(src_hbm, rng_hbm, idx_hbm, out_hbm,
          idx_v0, idx_v1, rows_v0, rows_v1, src_v0, src_v1, out_v0, out_v1,
          table_sh,
          idx_sem, gat_sem, src_sem, out_sem):
    sid = lax.axis_index("s")
    wid = sid * _NC + lax.axis_index("c")
    base = wid * _PER_W

    idx_b = (idx_v0, idx_v1)
    rows_b = (rows_v0, rows_v1)
    src_b = (src_v0, src_v1)
    out_b = (out_v0, out_v1)

    def span(j):
        return pl.ds(base + j * _CHUNK, _CHUNK)

    def start_idx(j):
        return pltpu.async_copy(idx_hbm.at[span(j)], idx_b[j % 2], idx_sem)

    def start_gather(j):
        return pltpu.async_copy(table_sh.at[idx_b[j % 2]], rows_b[j % 2],
                                gat_sem)

    def start_src(j):
        return pltpu.async_copy(src_hbm.at[span(j)], src_b[j % 2], src_sem)

    def start_out(j):
        return pltpu.async_copy(out_b[j % 2], out_hbm.at[span(j)], out_sem)

    def compute(j):
        src_v = src_b[j % 2]
        rows_v = rows_b[j % 2]
        out_v = out_b[j % 2]

        @plsc.parallel_loop(0, _CHUNK // _L, unroll=4)
        def _(i):
            s = src_v[pl.ds(i * _L, _L)]
            r = rows_v[pl.ds(i * _L, _L)]
            out_v[pl.ds(i * _L, _L)] = jnp.where(s > r, 1.0, 0.0)

    @pl.when(sid == 0)
    def _():
        pltpu.sync_copy(rng_hbm, table_sh)

    plsc.subcore_barrier()

    idx_d = {0: start_idx(0), 1: start_idx(1)}
    src_d = {0: start_src(0)}
    idx_d[0].wait()
    gat_d = {0: start_gather(0)}
    out_d = {}
    for j in range(_NCHUNK):
        gat_d[j].wait()
        src_d[j].wait()
        if j + 1 < _NCHUNK:
            idx_d[j + 1].wait()
            gat_d[j + 1] = start_gather(j + 1)
            src_d[j + 1] = start_src(j + 1)
        if j + 2 < _NCHUNK:
            idx_d[j + 2] = start_idx(j + 2)
        if j >= 2:
            out_d[j - 2].wait()
        compute(j)
        out_d[j] = start_out(j)
    out_d[_NCHUNK - 2].wait()
    out_d[_NCHUNK - 1].wait()


@jax.jit
def _run(src_flat, rng_seq, idx_flat):
    mesh = plsc.VectorSubcoreMesh(core_axis_name="c", subcore_axis_name="s")
    return pl.kernel(
        _body,
        out_type=jax.ShapeDtypeStruct((_N,), jnp.float32),
        mesh=mesh,
        scratch_types=[
            pltpu.VMEM((_CHUNK,), jnp.int32),
            pltpu.VMEM((_CHUNK,), jnp.int32),
            pltpu.VMEM((_CHUNK,), jnp.float32),
            pltpu.VMEM((_CHUNK,), jnp.float32),
            pltpu.VMEM((_CHUNK,), jnp.float32),
            pltpu.VMEM((_CHUNK,), jnp.float32),
            pltpu.VMEM((_CHUNK,), jnp.float32),
            pltpu.VMEM((_CHUNK,), jnp.float32),
            pltpu.VMEM_SHARED((_TABLE,), jnp.float32),
            pltpu.SemaphoreType.DMA,
            pltpu.SemaphoreType.DMA,
            pltpu.SemaphoreType.DMA,
            pltpu.SemaphoreType.DMA,
        ],
    )(src_flat, rng_seq, idx_flat)


def kernel(source, rng_seq, rng_idx):
    src_flat = source.reshape(-1)
    idx_flat = rng_idx.astype(jnp.int32).reshape(-1)
    out = _run(src_flat, rng_seq, idx_flat)
    return out.reshape(source.shape)

# --- scband reference (transcript-rebuilt; emitter-appended) ---
"""Pipeline reference for scband-bsgen-24670292149031 (READ-ONLY COPY).

The authoritative reference and input builder live on the scoring server;
editing this copy changes nothing except your own understanding.
"""

import jax, jax.numpy as jnp
import numpy as np


def setup_inputs(seed: int = 0) -> dict:
    key = jax.random.key(seed)
    k1, k2, k3 = jax.random.split(key, 3)
    # Learned/stored parameters (from __init__): source probabilities and rng sequence,
    # both in [0, 1) as typical for stochastic-computing bit-stream generation.
    source = jax.random.uniform(k1, (16384, 128), dtype=jnp.float32)
    rng_seq = jax.random.uniform(k2, (1000000,), dtype=jnp.float32)
    # Forward arg: rng_idx selects entries of rng_seq (one per source element).
    rng_idx = jax.random.randint(k3, (16384, 128), 0, 1000000, dtype=jnp.int64)
    return {"source": source, "rng_seq": rng_seq, "rng_idx": rng_idx}


def reference(source, rng_seq, rng_idx):
    # torch.gt(self.source, self.rng_seq[rng_idx.long()]).type(self.stype)
    gathered = jnp.take(rng_seq, rng_idx.astype(jnp.int64), axis=0)
    return jnp.greater(source, gathered).astype(jnp.float32)

if __name__ == "__main__":
    import jax
    _d = setup_inputs()
    print(jax.jit(kernel)(*tuple(_d.values())))

</pallas_src>

<mosaic_0001>
#map = affine_map<(d0, d1) -> (0)>
module attributes {stable_mosaic.version = 14 : i64} {
  func.func @_body(%arg0: i32, %arg1: i32, %arg2: memref<2097152xf32, #tpu.memory_space<hbm>>, %arg3: memref<1000000xf32, #tpu.memory_space<hbm>>, %arg4: memref<2097152xi32, #tpu.memory_space<hbm>>, %arg5: memref<2097152xf32, #tpu.memory_space<hbm>>, %arg6: memref<8192xi32, #tpu.memory_space<vmem>>, %arg7: memref<8192xi32, #tpu.memory_space<vmem>>, %arg8: memref<8192xf32, #tpu.memory_space<vmem>>, %arg9: memref<8192xf32, #tpu.memory_space<vmem>>, %arg10: memref<8192xf32, #tpu.memory_space<vmem>>, %arg11: memref<8192xf32, #tpu.memory_space<vmem>>, %arg12: memref<8192xf32, #tpu.memory_space<vmem>>, %arg13: memref<8192xf32, #tpu.memory_space<vmem>>, %arg14: memref<1000000xf32, #tpu.memory_space<vmem_shared>>, %arg15: memref<!tpu.dma_semaphore, #tpu.memory_space<semaphore_mem>>, %arg16: memref<!tpu.dma_semaphore, #tpu.memory_space<semaphore_mem>>, %arg17: memref<!tpu.dma_semaphore, #tpu.memory_space<semaphore_mem>>, %arg18: memref<!tpu.dma_semaphore, #tpu.memory_space<semaphore_mem>>) attributes {dimension_semantics = [#tpu.dimension_semantics<core_parallel>, #tpu.dimension_semantics<subcore_parallel>], iteration_bounds = array<i64: 2, 16>, scalar_prefetch = 0 : i64, scratch_operands = 13 : i64, tpu.core_type = #tpu.core_type<sc_vector_subcore>, window_params = [{transform_indices = #map}, {transform_indices = #map}, {transform_indices = #map}, {transform_indices = #map}]} {
    %mul3A = arith.constant 2 : i32
    %mul3A_0 = arith.muli %arg1, %mul3A : i32
    %add3A = arith.addi %mul3A_0, %arg0 : i32
    %mul3A_1 = arith.constant 65536 : i32
    %mul3A_2 = arith.muli %add3A, %mul3A_1 : i32
    %eq3A = arith.constant 0 : i32
    %eq3A_3 = arith.cmpi eq, %arg1, %eq3A : i32
    %convert_element_type3A = arith.extui %eq3A_3 : i1 to i32
    %cond3A = arith.constant 0 : i32
    %cond3A_4 = arith.cmpi ne, %convert_element_type3A, %cond3A : i32
    scf.if %cond3A_4 {
      "tpu.region"() ({
        %run_scoped3A = tpu.sem_alloc : memref<!tpu.dma_semaphore, #tpu.memory_space<semaphore_mem>>
        tpu.enqueue_dma source(%arg3 : memref<1000000xf32, #tpu.memory_space<hbm>>) target(%arg14 : memref<1000000xf32, #tpu.memory_space<vmem_shared>>) target_semaphore(%run_scoped3A : memref<!tpu.dma_semaphore, #tpu.memory_space<semaphore_mem>>)
        tpu.wait_dma2 semaphore(%run_scoped3A : memref<!tpu.dma_semaphore, #tpu.memory_space<semaphore_mem>>) src(%arg3 : memref<1000000xf32, #tpu.memory_space<hbm>>) dst(%arg14 : memref<1000000xf32, #tpu.memory_space<vmem_shared>>)
        tpu.yield
      }) : () -> ()
    } else {
    }
    %barrier3A = arith.constant 0 : index
    tpu.barrier barrier_id(%barrier3A)
    %add3A_5 = arith.constant 0 : i32
    %add3A_6 = arith.addi %mul3A_2, %add3A_5 : i32
    %dma_start3A = tpu.memref_slice %arg4[%add3A_6] : memref<2097152xi32, #tpu.memory_space<hbm>> -> memref<8192xi32, #tpu.memory_space<hbm>>
    %dma_start3A_7 = tpu.memref_slice %arg4[%add3A_6] : memref<2097152xi32, #tpu.memory_space<hbm>> -> memref<8192xi32, #tpu.memory_space<hbm>>
    tpu.enqueue_dma source(%dma_start3A_7 : memref<8192xi32, #tpu.memory_space<hbm>>) target(%arg6 : memref<8192xi32, #tpu.memory_space<vmem>>) target_semaphore(%arg15 : memref<!tpu.dma_semaphore, #tpu.memory_space<semaphore_mem>>)
    %add3A_8 = arith.constant 8192 : i32
    %add3A_9 = arith.addi %mul3A_2, %add3A_8 : i32
    %dma_start3A_10 = tpu.memref_slice %arg4[%add3A_9] : memref<2097152xi32, #tpu.memory_space<hbm>> -> memref<8192xi32, #tpu.memory_space<hbm>>
    %dma_start3A_11 = tpu.memref_slice %arg4[%add3A_9] : memref<2097152xi32, #tpu.memory_space<hbm>> -> memref<8192xi32, #tpu.memory_space<hbm>>
    tpu.enqueue_dma source(%dma_start3A_11 : memref<8192xi32, #tpu.memory_space<hbm>>) target(%arg7 : memref<8192xi32, #tpu.memory_space<vmem>>) target_semaphore(%arg15 : memref<!tpu.dma_semaphore, #tpu.memory_space<semaphore_mem>>)
    %add3A_12 = arith.constant 0 : i32
    %add3A_13 = arith.addi %mul3A_2, %add3A_12 : i32
    %dma_start3A_14 = tpu.memref_slice %arg2[%add3A_13] : memref<2097152xf32, #tpu.memory_space<hbm>> -> memref<8192xf32, #tpu.memory_space<hbm>>
    %dma_start3A_15 = tpu.memref_slice %arg2[%add3A_13] : memref<2097152xf32, #tpu.memory_space<hbm>> -> memref<8192xf32, #tpu.memory_space<hbm>>
    tpu.enqueue_dma source(%dma_start3A_15 : memref<8192xf32, #tpu.memory_space<hbm>>) target(%arg10 : memref<8192xf32, #tpu.memory_space<vmem>>) target_semaphore(%arg17 : memref<!tpu.dma_semaphore, #tpu.memory_space<semaphore_mem>>)
    %dma_wait3A = tpu.memref_slice %arg4[%add3A_6] : memref<2097152xi32, #tpu.memory_space<hbm>> -> memref<8192xi32, #tpu.memory_space<hbm>>
    %dma_wait3A_16 = tpu.memref_slice %arg4[%add3A_6] : memref<2097152xi32, #tpu.memory_space<hbm>> -> memref<8192xi32, #tpu.memory_space<hbm>>
    tpu.wait_dma2 semaphore(%arg15 : memref<!tpu.dma_semaphore, #tpu.memory_space<semaphore_mem>>) src(%dma_wait3A_16 : memref<8192xi32, #tpu.memory_space<hbm>>) dst(%arg6 : memref<8192xi32, #tpu.memory_space<vmem>>)
    %dma_start3A_17 = arith.constant 0 : i32
    %dma_start3A_18 = tpu.memref_slice %arg14[%dma_start3A_17] : memref<1000000xf32, #tpu.memory_space<vmem_shared>> -> memref<1000000xf32, #tpu.memory_space<vmem_shared>>
    tpu.enqueue_indirect_dma source(%dma_start3A_18 : memref<1000000xf32, #tpu.memory_space<vmem_shared>>) target(%arg8 : memref<8192xf32, #tpu.memory_space<vmem>>) offsets(%arg6 : memref<8192xi32, #tpu.memory_space<vmem>>) semaphore(%arg16 : memref<!tpu.dma_semaphore, #tpu.memory_space<semaphore_mem>>)
    %dma_wait3A_19 = arith.constant 0 : i32
    %dma_wait3A_20 = tpu.memref_slice %arg14[%dma_wait3A_19] : memref<1000000xf32, #tpu.memory_space<vmem_shared>> -> memref<1000000xf32, #tpu.memory_space<vmem_shared>>
    tpu.wait_indirect_dma semaphore(%arg16 : memref<!tpu.dma_semaphore, #tpu.memory_space<semaphore_mem>>) src(%dma_wait3A_20 : memref<1000000xf32, #tpu.memory_space<vmem_shared>>) dst(%arg8 : memref<8192xf32, #tpu.memory_space<vmem>>)
    %dma_wait3A_21 = tpu.memref_slice %arg2[%add3A_13] : memref<2097152xf32, #tpu.memory_space<hbm>> -> memref<8192xf32, #tpu.memory_space<hbm>>
    %dma_wait3A_22 = tpu.memref_slice %arg2[%add3A_13] : memref<2097152xf32, #tpu.memory_space<hbm>> -> memref<8192xf32, #tpu.memory_space<hbm>>
    tpu.wait_dma2 semaphore(%arg17 : memref<!tpu.dma_semaphore, #tpu.memory_space<semaphore_mem>>) src(%dma_wait3A_22 : memref<8192xf32, #tpu.memory_space<hbm>>) dst(%arg10 : memref<8192xf32, #tpu.memory_space<vmem>>)
    %dma_wait3A_23 = tpu.memref_slice %arg4[%add3A_9] : memref<2097152xi32, #tpu.memory_space<hbm>> -> memref<8192xi32, #tpu.memory_space<hbm>>
    %dma_wait3A_24 = tpu.memref_slice %arg4[%add3A_9] : memref<2097152xi32, #tpu.memory_space<hbm>> -> memref<8192xi32, #tpu.memory_space<hbm>>
    tpu.wait_dma2 semaphore(%arg15 : memref<!tpu.dma_semaphore, #tpu.memory_space<semaphore_mem>>) src(%dma_wait3A_24 : memref<8192xi32, #tpu.memory_space<hbm>>) dst(%arg7 : memref<8192xi32, #tpu.memory_space<vmem>>)
    %dma_start3A_25 = arith.constant 0 : i32
    %dma_start3A_26 = tpu.memref_slice %arg14[%dma_start3A_25] : memref<1000000xf32, #tpu.memory_space<vmem_shared>> -> memref<1000000xf32, #tpu.memory_space<vmem_shared>>
    tpu.enqueue_indirect_dma source(%dma_start3A_26 : memref<1000000xf32, #tpu.memory_space<vmem_shared>>) target(%arg9 : memref<8192xf32, #tpu.memory_space<vmem>>) offsets(%arg7 : memref<8192xi32, #tpu.memory_space<vmem>>) semaphore(%arg16 : memref<!tpu.dma_semaphore, #tpu.memory_space<semaphore_mem>>)
    %add3A_27 = arith.constant 8192 : i32
    %add3A_28 = arith.addi %mul3A_2, %add3A_27 : i32
    %dma_start3A_29 = tpu.memref_slice %arg2[%add3A_28] : memref<2097152xf32, #tpu.memory_space<hbm>> -> memref<8192xf32, #tpu.memory_space<hbm>>
    %dma_start3A_30 = tpu.memref_slice %arg2[%add3A_28] : memref<2097152xf32, #tpu.memory_space<hbm>> -> memref<8192xf32, #tpu.memory_space<hbm>>
    tpu.enqueue_dma source(%dma_start3A_30 : memref<8192xf32, #tpu.memory_space<hbm>>) target(%arg11 : memref<8192xf32, #tpu.memory_space<vmem>>) target_semaphore(%arg17 : memref<!tpu.dma_semaphore, #tpu.memory_space<semaphore_mem>>)
    %add3A_31 = arith.constant 16384 : i32
    %add3A_32 = arith.addi %mul3A_2, %add3A_31 : i32
    %dma_start3A_33 = tpu.memref_slice %arg4[%add3A_32] : memref<2097152xi32, #tpu.memory_space<hbm>> -> memref<8192xi32, #tpu.memory_space<hbm>>
    %dma_start3A_34 = tpu.memref_slice %arg4[%add3A_32] : memref<2097152xi32, #tpu.memory_space<hbm>> -> memref<8192xi32, #tpu.memory_space<hbm>>
    tpu.enqueue_dma source(%dma_start3A_34 : memref<8192xi32, #tpu.memory_space<hbm>>) target(%arg6 : memref<8192xi32, #tpu.memory_space<vmem>>) target_semaphore(%arg15 : memref<!tpu.dma_semaphore, #tpu.memory_space<semaphore_mem>>)
    %parallel_loop3A = arith.constant 0 : i32
    %parallel_loop3A_35 = arith.constant 512 : i32
    %parallel_loop3A_36 = arith.constant 1 : i32
    scf.for %parallel_loop3A_202 = %parallel_loop3A to %parallel_loop3A_35 step %parallel_loop3A_36  : i32 {
      %parallel_loop3A_203 = arith.constant 16 : i32
      %parallel_loop3A_204 = arith.muli %parallel_loop3A_202, %parallel_loop3A_203 : i32
      %parallel_loop3A_205 = arith.index_cast %parallel_loop3A_204 : i32 to index
      %parallel_loop3A_206 = tpu.vector_load %arg10[%parallel_loop3A_205] {strides = array<i32>} : memref<8192xf32, #tpu.memory_space<vmem>>, vector<16xf32>,
      %parallel_loop3A_207 = vector.shape_cast %parallel_loop3A_206 : vector<16xf32> to vector<16xf32>
      %parallel_loop3A_208 = arith.constant 16 : i32
      %parallel_loop3A_209 = arith.muli %parallel_loop3A_202, %parallel_loop3A_208 : i32
      %parallel_loop3A_210 = arith.index_cast %parallel_loop3A_209 : i32 to index
      %parallel_loop3A_211 = tpu.vector_load %arg8[%parallel_loop3A_210] {strides = array<i32>} : memref<8192xf32, #tpu.memory_space<vmem>>, vector<16xf32>,
      %parallel_loop3A_212 = vector.shape_cast %parallel_loop3A_211 : vector<16xf32> to vector<16xf32>
      %parallel_loop3A_213 = arith.cmpf ogt, %parallel_loop3A_207, %parallel_loop3A_212 : vector<16xf32>
      %parallel_loop3A_214 = arith.constant 1.000000e+00 : f32
      %parallel_loop3A_215 = arith.constant 0.000000e+00 : f32
      %parallel_loop3A_216 = vector.broadcast %parallel_loop3A_214 : f32 to vector<16xf32>
      %parallel_loop3A_217 = vector.broadcast %parallel_loop3A_215 : f32 to vector<16xf32>
      %parallel_loop3A_218 = arith.select %parallel_loop3A_213, %parallel_loop3A_216, %parallel_loop3A_217 : vector<16xi1>, vector<16xf32>
      %parallel_loop3A_219 = arith.constant 16 : i32
      %parallel_loop3A_220 = arith.muli %parallel_loop3A_202, %parallel_loop3A_219 : i32
      %parallel_loop3A_221 = arith.index_cast %parallel_loop3A_220 : i32 to index
      %parallel_loop3A_222 = tpu.vector_load %arg12[%parallel_loop3A_221] {strides = array<i32>} : memref<8192xf32, #tpu.memory_space<vmem>>, vector<16xf32>,
      %parallel_loop3A_223 = vector.shape_cast %parallel_loop3A_222 : vector<16xf32> to vector<16xf32>
      %parallel_loop3A_224 = vector.shape_cast %parallel_loop3A_218 : vector<16xf32> to vector<16xf32>
      tpu.vector_store %arg12[%parallel_loop3A_221], %parallel_loop3A_224 {strides = array<i32>} : memref<8192xf32, #tpu.memory_space<vmem>>, vector<16xf32>,
    } {sc.loop_unroll_factor = 4 : i64, sc.parallel_access}
    %add3A_37 = arith.constant 0 : i32
    %add3A_38 = arith.addi %mul3A_2, %add3A_37 : i32
    %dma_start3A_39 = tpu.memref_slice %arg5[%add3A_38] : memref<2097152xf32, #tpu.memory_space<hbm>> -> memref<8192xf32, #tpu.memory_space<hbm>>
    %dma_start3A_40 = tpu.memref_slice %arg5[%add3A_38] : memref<2097152xf32, #tpu.memory_space<hbm>> -> memref<8192xf32, #tpu.memory_space<hbm>>
    tpu.enqueue_dma source(%arg12 : memref<8192xf32, #tpu.memory_space<vmem>>) target(%dma_start3A_40 : memref<8192xf32, #tpu.memory_space<hbm>>) target_semaphore(%arg18 : memref<!tpu.dma_semaphore, #tpu.memory_space<semaphore_mem>>)
    %dma_wait3A_41 = arith.constant 0 : i32
    %dma_wait3A_42 = tpu.memref_slice %arg14[%dma_wait3A_41] : memref<1000000xf32, #tpu.memory_space<vmem_shared>> -> memref<1000000xf32, #tpu.memory_space<vmem_shared>>
    tpu.wait_indirect_dma semaphore(%arg16 : memref<!tpu.dma_semaphore, #tpu.memory_space<semaphore_mem>>) src(%dma_wait3A_42 : memref<1000000xf32, #tpu.memory_space<vmem_shared>>) dst(%arg9 : memref<8192xf32, #tpu.memory_space<vmem>>)
    %dma_wait3A_43 = tpu.memref_slice %arg2[%add3A_28] : memref<2097152xf32, #tpu.memory_space<hbm>> -> memref<8192xf32, #tpu.memory_space<hbm>>
    %dma_wait3A_44 = tpu.memref_slice %arg2[%add3A_28] : memref<2097152xf32, #tpu.memory_space<hbm>> -> memref<8192xf32, #tpu.memory_space<hbm>>
    tpu.wait_dma2 semaphore(%arg17 : memref<!tpu.dma_semaphore, #tpu.memory_space<semaphore_mem>>) src(%dma_wait3A_44 : memref<8192xf32, #tpu.memory_space<hbm>>) dst(%arg11 : memref<8192xf32, #tpu.memory_space<vmem>>)
    %dma_wait3A_45 = tpu.memref_slice %arg4[%add3A_32] : memref<2097152xi32, #tpu.memory_space<hbm>> -> memref<8192xi32, #tpu.memory_space<hbm>>
    %dma_wait3A_46 = tpu.memref_slice %arg4[%add3A_32] : memref<2097152xi32, #tpu.memory_space<hbm>> -> memref<8192xi32, #tpu.memory_space<hbm>>
    tpu.wait_dma2 semaphore(%arg15 : memref<!tpu.dma_semaphore, #tpu.memory_space<semaphore_mem>>) src(%dma_wait3A_46 : memref<8192xi32, #tpu.memory_space<hbm>>) dst(%arg6 : memref<8192xi32, #tpu.memory_space<vmem>>)
    %dma_start3A_47 = arith.constant 0 : i32
    %dma_start3A_48 = tpu.memref_slice %arg14[%dma_start3A_47] : memref<1000000xf32, #tpu.memory_space<vmem_shared>> -> memref<1000000xf32, #tpu.memory_space<vmem_shared>>
    tpu.enqueue_indirect_dma source(%dma_start3A_48 : memref<1000000xf32, #tpu.memory_space<vmem_shared>>) target(%arg8 : memref<8192xf32, #tpu.memory_space<vmem>>) offsets(%arg6 : memref<8192xi32, #tpu.memory_space<vmem>>) semaphore(%arg16 : memref<!tpu.dma_semaphore, #tpu.memory_space<semaphore_mem>>)
    %add3A_49 = arith.constant 16384 : i32
    %add3A_50 = arith.addi %mul3A_2, %add3A_49 : i32
    %dma_start3A_51 = tpu.memref_slice %arg2[%add3A_50] : memref<2097152xf32, #tpu.memory_space<hbm>> -> memref<8192xf32, #tpu.memory_space<hbm>>
    %dma_start3A_52 = tpu.memref_slice %arg2[%add3A_50] : memref<2097152xf32, #tpu.memory_space<hbm>> -> memref<8192xf32, #tpu.memory_space<hbm>>
    tpu.enqueue_dma source(%dma_start3A_52 : memref<8192xf32, #tpu.memory_space<hbm>>) target(%arg10 : memref<8192xf32, #tpu.memory_space<vmem>>) target_semaphore(%arg17 : memref<!tpu.dma_semaphore, #tpu.memory_space<semaphore_mem>>)
    %add3A_53 = arith.constant 24576 : i32
    %add3A_54 = arith.addi %mul3A_2, %add3A_53 : i32
    %dma_start3A_55 = tpu.memref_slice %arg4[%add3A_54] : memref<2097152xi32, #tpu.memory_space<hbm>> -> memref<8192xi32, #tpu.memory_space<hbm>>
    %dma_start3A_56 = tpu.memref_slice %arg4[%add3A_54] : memref<2097152xi32, #tpu.memory_space<hbm>> -> memref<8192xi32, #tpu.memory_space<hbm>>
    tpu.enqueue_dma source(%dma_start3A_56 : memref<8192xi32, #tpu.memory_space<hbm>>) target(%arg7 : memref<8192xi32, #tpu.memory_space<vmem>>) target_semaphore(%arg15 : memref<!tpu.dma_semaphore, #tpu.memory_space<semaphore_mem>>)
    %parallel_loop3A_57 = arith.constant 0 : i32
    %parallel_loop3A_58 = arith.constant 512 : i32
    %parallel_loop3A_59 = arith.constant 1 : i32
    scf.for %parallel_loop3A_202 = %parallel_loop3A_57 to %parallel_loop3A_58 step %parallel_loop3A_59  : i32 {
      %parallel_loop3A_203 = arith.constant 16 : i32
      %parallel_loop3A_204 = arith.muli %parallel_loop3A_202, %parallel_loop3A_203 : i32
      %parallel_loop3A_205 = arith.index_cast %parallel_loop3A_204 : i32 to index
      %parallel_loop3A_206 = tpu.vector_load %arg11[%parallel_loop3A_205] {strides = array<i32>} : memref<8192xf32, #tpu.memory_space<vmem>>, vector<16xf32>,
      %parallel_loop3A_207 = vector.shape_cast %parallel_loop3A_206 : vector<16xf32> to vector<16xf32>
      %parallel_loop3A_208 = arith.constant 16 : i32
      %parallel_loop3A_209 = arith.muli %parallel_loop3A_202, %parallel_loop3A_208 : i32
      %parallel_loop3A_210 = arith.index_cast %parallel_loop3A_209 : i32 to index
      %parallel_loop3A_211 = tpu.vector_load %arg9[%parallel_loop3A_210] {strides = array<i32>} : memref<8192xf32, #tpu.memory_space<vmem>>, vector<16xf32>,
      %parallel_loop3A_212 = vector.shape_cast %parallel_loop3A_211 : vector<16xf32> to vector<16xf32>
      %parallel_loop3A_213 = arith.cmpf ogt, %parallel_loop3A_207, %parallel_loop3A_212 : vector<16xf32>
      %parallel_loop3A_214 = arith.constant 1.000000e+00 : f32
      %parallel_loop3A_215 = arith.constant 0.000000e+00 : f32
      %parallel_loop3A_216 = vector.broadcast %parallel_loop3A_214 : f32 to vector<16xf32>
      %parallel_loop3A_217 = vector.broadcast %parallel_loop3A_215 : f32 to vector<16xf32>
      %parallel_loop3A_218 = arith.select %parallel_loop3A_213, %parallel_loop3A_216, %parallel_loop3A_217 : vector<16xi1>, vector<16xf32>
      %parallel_loop3A_219 = arith.constant 16 : i32
      %parallel_loop3A_220 = arith.muli %parallel_loop3A_202, %parallel_loop3A_219 : i32
      %parallel_loop3A_221 = arith.index_cast %parallel_loop3A_220 : i32 to index
      %parallel_loop3A_222 = tpu.vector_load %arg13[%parallel_loop3A_221] {strides = array<i32>} : memref<8192xf32, #tpu.memory_space<vmem>>, vector<16xf32>,
      %parallel_loop3A_223 = vector.shape_cast %parallel_loop3A_222 : vector<16xf32> to vector<16xf32>
      %parallel_loop3A_224 = vector.shape_cast %parallel_loop3A_218 : vector<16xf32> to vector<16xf32>
      tpu.vector_store %arg13[%parallel_loop3A_221], %parallel_loop3A_224 {strides = array<i32>} : memref<8192xf32, #tpu.memory_space<vmem>>, vector<16xf32>,
    } {sc.loop_unroll_factor = 4 : i64, sc.parallel_access}
    %add3A_60 = arith.constant 8192 : i32
    %add3A_61 = arith.addi %mul3A_2, %add3A_60 : i32
    %dma_start3A_62 = tpu.memref_slice %arg5[%add3A_61] : memref<2097152xf32, #tpu.memory_space<hbm>> -> memref<8192xf32, #tpu.memory_space<hbm>>
    %dma_start3A_63 = tpu.memref_slice %arg5[%add3A_61] : memref<2097152xf32, #tpu.memory_space<hbm>> -> memref<8192xf32, #tpu.memory_space<hbm>>
    tpu.enqueue_dma source(%arg13 : memref<8192xf32, #tpu.memory_space<vmem>>) target(%dma_start3A_63 : memref<8192xf32, #tpu.memory_space<hbm>>) target_semaphore(%arg18 : memref<!tpu.dma_semaphore, #tpu.memory_space<semaphore_mem>>)
    %dma_wait3A_64 = arith.constant 0 : i32
    %dma_wait3A_65 = tpu.memref_slice %arg14[%dma_wait3A_64] : memref<1000000xf32, #tpu.memory_space<vmem_shared>> -> memref<1000000xf32, #tpu.memory_space<vmem_shared>>
    tpu.wait_indirect_dma semaphore(%arg16 : memref<!tpu.dma_semaphore, #tpu.memory_space<semaphore_mem>>) src(%dma_wait3A_65 : memref<1000000xf32, #tpu.memory_space<vmem_shared>>) dst(%arg8 : memref<8192xf32, #tpu.memory_space<vmem>>)
    %dma_wait3A_66 = tpu.memref_slice %arg2[%add3A_50] : memref<2097152xf32, #tpu.memory_space<hbm>> -> memref<8192xf32, #tpu.memory_space<hbm>>
    %dma_wait3A_67 = tpu.memref_slice %arg2[%add3A_50] : memref<2097152xf32, #tpu.memory_space<hbm>> -> memref<8192xf32, #tpu.memory_space<hbm>>
    tpu.wait_dma2 semaphore(%arg17 : memref<!tpu.dma_semaphore, #tpu.memory_space<semaphore_mem>>) src(%dma_wait3A_67 : memref<8192xf32, #tpu.memory_space<hbm>>) dst(%arg10 : memref<8192xf32, #tpu.memory_space<vmem>>)
    %dma_wait3A_68 = tpu.memref_slice %arg4[%add3A_54] : memref<2097152xi32, #tpu.memory_space<hbm>> -> memref<8192xi32, #tpu.memory_space<hbm>>
    %dma_wait3A_69 = tpu.memref_slice %arg4[%add3A_54] : memref<2097152xi32, #tpu.memory_space<hbm>> -> memref<8192xi32, #tpu.memory_space<hbm>>
    tpu.wait_dma2 semaphore(%arg15 : memref<!tpu.dma_semaphore, #tpu.memory_space<semaphore_mem>>) src(%dma_wait3A_69 : memref<8192xi32, #tpu.memory_space<hbm>>) dst(%arg7 : memref<8192xi32, #tpu.memory_space<vmem>>)
    %dma_start3A_70 = arith.constant 0 : i32
    %dma_start3A_71 = tpu.memref_slice %arg14[%dma_start3A_70] : memref<1000000xf32, #tpu.memory_space<vmem_shared>> -> memref<1000000xf32, #tpu.memory_space<vmem_shared>>
    tpu.enqueue_indirect_dma source(%dma_start3A_71 : memref<1000000xf32, #tpu.memory_space<vmem_shared>>) target(%arg9 : memref<8192xf32, #tpu.memory_space<vmem>>) offsets(%arg7 : memref<8192xi32, #tpu.memory_space<vmem>>) semaphore(%arg16 : memref<!tpu.dma_semaphore, #tpu.memory_space<semaphore_mem>>)
    %add3A_72 = arith.constant 24576 : i32
    %add3A_73 = arith.addi %mul3A_2, %add3A_72 : i32
    %dma_start3A_74 = tpu.memref_slice %arg2[%add3A_73] : memref<2097152xf32, #tpu.memory_space<hbm>> -> memref<8192xf32, #tpu.memory_space<hbm>>
    %dma_start3A_75 = tpu.memref_slice %arg2[%add3A_73] : memref<2097152xf32, #tpu.memory_space<hbm>> -> memref<8192xf32, #tpu.memory_space<hbm>>
    tpu.enqueue_dma source(%dma_start3A_75 : memref<8192xf32, #tpu.memory_space<hbm>>) target(%arg11 : memref<8192xf32, #tpu.memory_space<vmem>>) target_semaphore(%arg17 : memref<!tpu.dma_semaphore, #tpu.memory_space<semaphore_mem>>)
    %add3A_76 = arith.constant 32768 : i32
    %add3A_77 = arith.addi %mul3A_2, %add3A_76 : i32
    %dma_start3A_78 = tpu.memref_slice %arg4[%add3A_77] : memref<2097152xi32, #tpu.memory_space<hbm>> -> memref<8192xi32, #tpu.memory_space<hbm>>
    %dma_start3A_79 = tpu.memref_slice %arg4[%add3A_77] : memref<2097152xi32, #tpu.memory_space<hbm>> -> memref<8192xi32, #tpu.memory_space<hbm>>
    tpu.enqueue_dma source(%dma_start3A_79 : memref<8192xi32, #tpu.memory_space<hbm>>) target(%arg6 : memref<8192xi32, #tpu.memory_space<vmem>>) target_semaphore(%arg15 : memref<!tpu.dma_semaphore, #tpu.memory_space<semaphore_mem>>)
    %dma_wait3A_80 = tpu.memref_slice %arg5[%add3A_38] : memref<2097152xf32, #tpu.memory_space<hbm>> -> memref<8192xf32, #tpu.memory_space<hbm>>
    %dma_wait3A_81 = tpu.memref_slice %arg5[%add3A_38] : memref<2097152xf32, #tpu.memory_space<hbm>> -> memref<8192xf32, #tpu.memory_space<hbm>>
    tpu.wait_dma2 semaphore(%arg18 : memref<!tpu.dma_semaphore, #tpu.memory_space<semaphore_mem>>) src(%arg12 : memref<8192xf32, #tpu.memory_space<vmem>>) dst(%dma_wait3A_81 : memref<8192xf32, #tpu.memory_space<hbm>>)
    %parallel_loop3A_82 = arith.constant 0 : i32
    %parallel_loop3A_83 = arith.constant 512 : i32
    %parallel_loop3A_84 = arith.constant 1 : i32
    scf.for %parallel_loop3A_202 = %parallel_loop3A_82 to %parallel_loop3A_83 step %parallel_loop3A_84  : i32 {
      %parallel_loop3A_203 = arith.constant 16 : i32
      %parallel_loop3A_204 = arith.muli %parallel_loop3A_202, %parallel_loop3A_203 : i32
      %parallel_loop3A_205 = arith.index_cast %parallel_loop3A_204 : i32 to index
      %parallel_loop3A_206 = tpu.vector_load %arg10[%parallel_loop3A_205] {strides = array<i32>} : memref<8192xf32, #tpu.memory_space<vmem>>, vector<16xf32>,
      %parallel_loop3A_207 = vector.shape_cast %parallel_loop3A_206 : vector<16xf32> to vector<16xf32>
      %parallel_loop3A_208 = arith.constant 16 : i32
      %parallel_loop3A_209 = arith.muli %parallel_loop3A_202, %parallel_loop3A_208 : i32
      %parallel_loop3A_210 = arith.index_cast %parallel_loop3A_209 : i32 to index
      %parallel_loop3A_211 = tpu.vector_load %arg8[%parallel_loop3A_210] {strides = array<i32>} : memref<8192xf32, #tpu.memory_space<vmem>>, vector<16xf32>,
      %parallel_loop3A_212 = vector.shape_cast %parallel_loop3A_211 : vector<16xf32> to vector<16xf32>
      %parallel_loop3A_213 = arith.cmpf ogt, %parallel_loop3A_207, %parallel_loop3A_212 : vector<16xf32>
      %parallel_loop3A_214 = arith.constant 1.000000e+00 : f32
      %parallel_loop3A_215 = arith.constant 0.000000e+00 : f32
      %parallel_loop3A_216 = vector.broadcast %parallel_loop3A_214 : f32 to vector<16xf32>
      %parallel_loop3A_217 = vector.broadcast %parallel_loop3A_215 : f32 to vector<16xf32>
      %parallel_loop3A_218 = arith.select %parallel_loop3A_213, %parallel_loop3A_216, %parallel_loop3A_217 : vector<16xi1>, vector<16xf32>
      %parallel_loop3A_219 = arith.constant 16 : i32
      %parallel_loop3A_220 = arith.muli %parallel_loop3A_202, %parallel_loop3A_219 : i32
      %parallel_loop3A_221 = arith.index_cast %parallel_loop3A_220 : i32 to index
      %parallel_loop3A_222 = tpu.vector_load %arg12[%parallel_loop3A_221] {strides = array<i32>} : memref<8192xf32, #tpu.memory_space<vmem>>, vector<16xf32>,
      %parallel_loop3A_223 = vector.shape_cast %parallel_loop3A_222 : vector<16xf32> to vector<16xf32>
      %parallel_loop3A_224 = vector.shape_cast %parallel_loop3A_218 : vector<16xf32> to vector<16xf32>
      tpu.vector_store %arg12[%parallel_loop3A_221], %parallel_loop3A_224 {strides = array<i32>} : memref<8192xf32, #tpu.memory_space<vmem>>, vector<16xf32>,
    } {sc.loop_unroll_factor = 4 : i64, sc.parallel_access}
    %add3A_85 = arith.constant 16384 : i32
    %add3A_86 = arith.addi %mul3A_2, %add3A_85 : i32
    %dma_start3A_87 = tpu.memref_slice %arg5[%add3A_86] : memref<2097152xf32, #tpu.memory_space<hbm>> -> memref<8192xf32, #tpu.memory_space<hbm>>
    %dma_start3A_88 = tpu.memref_slice %arg5[%add3A_86] : memref<2097152xf32, #tpu.memory_space<hbm>> -> memref<8192xf32, #tpu.memory_space<hbm>>
    tpu.enqueue_dma source(%arg12 : memref<8192xf32, #tpu.memory_space<vmem>>) target(%dma_start3A_88 : memref<8192xf32, #tpu.memory_space<hbm>>) target_semaphore(%arg18 : memref<!tpu.dma_semaphore, #tpu.memory_space<semaphore_mem>>)
    %dma_wait3A_89 = arith.constant 0 : i32
    %dma_wait3A_90 = tpu.memref_slice %arg14[%dma_wait3A_89] : memref<1000000xf32, #tpu.memory_space<vmem_shared>> -> memref<1000000xf32, #tpu.memory_space<vmem_shared>>
    tpu.wait_indirect_dma semaphore(%arg16 : memref<!tpu.dma_semaphore, #tpu.memory_space<semaphore_mem>>) src(%dma_wait3A_90 : memref<1000000xf32, #tpu.memory_space<vmem_shared>>) dst(%arg9 : memref<8192xf32, #tpu.memory_space<vmem>>)
    %dma_wait3A_91 = tpu.memref_slice %arg2[%add3A_73] : memref<2097152xf32, #tpu.memory_space<hbm>> -> memref<8192xf32, #tpu.memory_space<hbm>>
    %dma_wait3A_92 = tpu.memref_slice %arg2[%add3A_73] : memref<2097152xf32, #tpu.memory_space<hbm>> -> memref<8192xf32, #tpu.memory_space<hbm>>
    tpu.wait_dma2 semaphore(%arg17 : memref<!tpu.dma_semaphore, #tpu.memory_space<semaphore_mem>>) src(%dma_wait3A_92 : memref<8192xf32, #tpu.memory_space<hbm>>) dst(%arg11 : memref<8192xf32, #tpu.memory_space<vmem>>)
    %dma_wait3A_93 = tpu.memref_slice %arg4[%add3A_77] : memref<2097152xi32, #tpu.memory_space<hbm>> -> memref<8192xi32, #tpu.memory_space<hbm>>
    %dma_wait3A_94 = tpu.memref_slice %arg4[%add3A_77] : memref<2097152xi32, #tpu.memory_space<hbm>> -> memref<8192xi32, #tpu.memory_space<hbm>>
    tpu.wait_dma2 semaphore(%arg15 : memref<!tpu.dma_semaphore, #tpu.memory_space<semaphore_mem>>) src(%dma_wait3A_94 : memref<8192xi32, #tpu.memory_space<hbm>>) dst(%arg6 : memref<8192xi32, #tpu.memory_space<vmem>>)
    %dma_start3A_95 = arith.constant 0 : i32
    %dma_start3A_96 = tpu.memref_slice %arg14[%dma_start3A_95] : memref<1000000xf32, #tpu.memory_space<vmem_shared>> -> memref<1000000xf32, #tpu.memory_space<vmem_shared>>
    tpu.enqueue_indirect_dma source(%dma_start3A_96 : memref<1000000xf32, #tpu.memory_space<vmem_shared>>) target(%arg8 : memref<8192xf32, #tpu.memory_space<vmem>>) offsets(%arg6 : memref<8192xi32, #tpu.memory_space<vmem>>) semaphore(%arg16 : memref<!tpu.dma_semaphore, #tpu.memory_space<semaphore_mem>>)
    %add3A_97 = arith.constant 32768 : i32
    %add3A_98 = arith.addi %mul3A_2, %add3A_97 : i32
    %dma_start3A_99 = tpu.memref_slice %arg2[%add3A_98] : memref<2097152xf32, #tpu.memory_space<hbm>> -> memref<8192xf32, #tpu.memory_space<hbm>>
    %dma_start3A_100 = tpu.memref_slice %arg2[%add3A_98] : memref<2097152xf32, #tpu.memory_space<hbm>> -> memref<8192xf32, #tpu.memory_space<hbm>>
    tpu.enqueue_dma source(%dma_start3A_100 : memref<8192xf32, #tpu.memory_space<hbm>>) target(%arg10 : memref<8192xf32, #tpu.memory_space<vmem>>) target_semaphore(%arg17 : memref<!tpu.dma_semaphore, #tpu.memory_space<semaphore_mem>>)
    %add3A_101 = arith.constant 40960 : i32
    %add3A_102 = arith.addi %mul3A_2, %add3A_101 : i32
    %dma_start3A_103 = tpu.memref_slice %arg4[%add3A_102] : memref<2097152xi32, #tpu.memory_space<hbm>> -> memref<8192xi32, #tpu.memory_space<hbm>>
    %dma_start3A_104 = tpu.memref_slice %arg4[%add3A_102] : memref<2097152xi32, #tpu.memory_space<hbm>> -> memref<8192xi32, #tpu.memory_space<hbm>>
    tpu.enqueue_dma source(%dma_start3A_104 : memref<8192xi32, #tpu.memory_space<hbm>>) target(%arg7 : memref<8192xi32, #tpu.memory_space<vmem>>) target_semaphore(%arg15 : memref<!tpu.dma_semaphore, #tpu.memory_space<semaphore_mem>>)
    %dma_wait3A_105 = tpu.memref_slice %arg5[%add3A_61] : memref<2097152xf32, #tpu.memory_space<hbm>> -> memref<8192xf32, #tpu.memory_space<hbm>>
    %dma_wait3A_106 = tpu.memref_slice %arg5[%add3A_61] : memref<2097152xf32, #tpu.memory_space<hbm>> -> memref<8192xf32, #tpu.memory_space<hbm>>
    tpu.wait_dma2 semaphore(%arg18 : memref<!tpu.dma_semaphore, #tpu.memory_space<semaphore_mem>>) src(%arg13 : memref<8192xf32, #tpu.memory_space<vmem>>) dst(%dma_wait3A_106 : memref<8192xf32, #tpu.memory_space<hbm>>)
    %parallel_loop3A_107 = arith.constant 0 : i32
    %parallel_loop3A_108 = arith.constant 512 : i32
    %parallel_loop3A_109 = arith.constant 1 : i32
    scf.for %parallel_loop3A_202 = %parallel_loop3A_107 to %parallel_loop3A_108 step %parallel_loop3A_109  : i32 {
      %parallel_loop3A_203 = arith.constant 16 : i32
      %parallel_loop3A_204 = arith.muli %parallel_loop3A_202, %parallel_loop3A_203 : i32
      %parallel_loop3A_205 = arith.index_cast %parallel_loop3A_204 : i32 to index
      %parallel_loop3A_206 = tpu.vector_load %arg11[%parallel_loop3A_205] {strides = array<i32>} : memref<8192xf32, #tpu.memory_space<vmem>>, vector<16xf32>,
      %parallel_loop3A_207 = vector.shape_cast %parallel_loop3A_206 : vector<16xf32> to vector<16xf32>
      %parallel_loop3A_208 = arith.constant 16 : i32
      %parallel_loop3A_209 = arith.muli %parallel_loop3A_202, %parallel_loop3A_208 : i32
      %parallel_loop3A_210 = arith.index_cast %parallel_loop3A_209 : i32 to index
      %parallel_loop3A_211 = tpu.vector_load %arg9[%parallel_loop3A_210] {strides = array<i32>} : memref<8192xf32, #tpu.memory_space<vmem>>, vector<16xf32>,
      %parallel_loop3A_212 = vector.shape_cast %parallel_loop3A_211 : vector<16xf32> to vector<16xf32>
      %parallel_loop3A_213 = arith.cmpf ogt, %parallel_loop3A_207, %parallel_loop3A_212 : vector<16xf32>
      %parallel_loop3A_214 = arith.constant 1.000000e+00 : f32
      %parallel_loop3A_215 = arith.constant 0.000000e+00 : f32
      %parallel_loop3A_216 = vector.broadcast %parallel_loop3A_214 : f32 to vector<16xf32>
      %parallel_loop3A_217 = vector.broadcast %parallel_loop3A_215 : f32 to vector<16xf32>
      %parallel_loop3A_218 = arith.select %parallel_loop3A_213, %parallel_loop3A_216, %parallel_loop3A_217 : vector<16xi1>, vector<16xf32>
      %parallel_loop3A_219 = arith.constant 16 : i32
      %parallel_loop3A_220 = arith.muli %parallel_loop3A_202, %parallel_loop3A_219 : i32
      %parallel_loop3A_221 = arith.index_cast %parallel_loop3A_220 : i32 to index
      %parallel_loop3A_222 = tpu.vector_load %arg13[%parallel_loop3A_221] {strides = array<i32>} : memref<8192xf32, #tpu.memory_space<vmem>>, vector<16xf32>,
      %parallel_loop3A_223 = vector.shape_cast %parallel_loop3A_222 : vector<16xf32> to vector<16xf32>
      %parallel_loop3A_224 = vector.shape_cast %parallel_loop3A_218 : vector<16xf32> to vector<16xf32>
      tpu.vector_store %arg13[%parallel_loop3A_221], %parallel_loop3A_224 {strides = array<i32>} : memref<8192xf32, #tpu.memory_space<vmem>>, vector<16xf32>,
    } {sc.loop_unroll_factor = 4 : i64, sc.parallel_access}
    %add3A_110 = arith.constant 24576 : i32
    %add3A_111 = arith.addi %mul3A_2, %add3A_110 : i32
    %dma_start3A_112 = tpu.memref_slice %arg5[%add3A_111] : memref<2097152xf32, #tpu.memory_space<hbm>> -> memref<8192xf32, #tpu.memory_space<hbm>>
    %dma_start3A_113 = tpu.memref_slice %arg5[%add3A_111] : memref<2097152xf32, #tpu.memory_space<hbm>> -> memref<8192xf32, #tpu.memory_space<hbm>>
    tpu.enqueue_dma source(%arg13 : memref<8192xf32, #tpu.memory_space<vmem>>) target(%dma_start3A_113 : memref<8192xf32, #tpu.memory_space<hbm>>) target_semaphore(%arg18 : memref<!tpu.dma_semaphore, #tpu.memory_space<semaphore_mem>>)
    %dma_wait3A_114 = arith.constant 0 : i32
    %dma_wait3A_115 = tpu.memref_slice %arg14[%dma_wait3A_114] : memref<1000000xf32, #tpu.memory_space<vmem_shared>> -> memref<1000000xf32, #tpu.memory_space<vmem_shared>>
    tpu.wait_indirect_dma semaphore(%arg16 : memref<!tpu.dma_semaphore, #tpu.memory_space<semaphore_mem>>) src(%dma_wait3A_115 : memref<1000000xf32, #tpu.memory_space<vmem_shared>>) dst(%arg8 : memref<8192xf32, #tpu.memory_space<vmem>>)
    %dma_wait3A_116 = tpu.memref_slice %arg2[%add3A_98] : memref<2097152xf32, #tpu.memory_space<hbm>> -> memref<8192xf32, #tpu.memory_space<hbm>>
    %dma_wait3A_117 = tpu.memref_slice %arg2[%add3A_98] : memref<2097152xf32, #tpu.memory_space<hbm>> -> memref<8192xf32, #tpu.memory_space<hbm>>
    tpu.wait_dma2 semaphore(%arg17 : memref<!tpu.dma_semaphore, #tpu.memory_space<semaphore_mem>>) src(%dma_wait3A_117 : memref<8192xf32, #tpu.memory_space<hbm>>) dst(%arg10 : memref<8192xf32, #tpu.memory_space<vmem>>)
    %dma_wait3A_118 = tpu.memref_slice %arg4[%add3A_102] : memref<2097152xi32, #tpu.memory_space<hbm>> -> memref<8192xi32, #tpu.memory_space<hbm>>
    %dma_wait3A_119 = tpu.memref_slice %arg4[%add3A_102] : memref<2097152xi32, #tpu.memory_space<hbm>> -> memref<8192xi32, #tpu.memory_space<hbm>>
    tpu.wait_dma2 semaphore(%arg15 : memref<!tpu.dma_semaphore, #tpu.memory_space<semaphore_mem>>) src(%dma_wait3A_119 : memref<8192xi32, #tpu.memory_space<hbm>>) dst(%arg7 : memref<8192xi32, #tpu.memory_space<vmem>>)
    %dma_start3A_120 = arith.constant 0 : i32
    %dma_start3A_121 = tpu.memref_slice %arg14[%dma_start3A_120] : memref<1000000xf32, #tpu.memory_space<vmem_shared>> -> memref<1000000xf32, #tpu.memory_space<vmem_shared>>
    tpu.enqueue_indirect_dma source(%dma_start3A_121 : memref<1000000xf32, #tpu.memory_space<vmem_shared>>) target(%arg9 : memref<8192xf32, #tpu.memory_space<vmem>>) offsets(%arg7 : memref<8192xi32, #tpu.memory_space<vmem>>) semaphore(%arg16 : memref<!tpu.dma_semaphore, #tpu.memory_space<semaphore_mem>>)
    %add3A_122 = arith.constant 40960 : i32
    %add3A_123 = arith.addi %mul3A_2, %add3A_122 : i32
    %dma_start3A_124 = tpu.memref_slice %arg2[%add3A_123] : memref<2097152xf32, #tpu.memory_space<hbm>> -> memref<8192xf32, #tpu.memory_space<hbm>>
    %dma_start3A_125 = tpu.memref_slice %arg2[%add3A_123] : memref<2097152xf32, #tpu.memory_space<hbm>> -> memref<8192xf32, #tpu.memory_space<hbm>>
    tpu.enqueue_dma source(%dma_start3A_125 : memref<8192xf32, #tpu.memory_space<hbm>>) target(%arg11 : memref<8192xf32, #tpu.memory_space<vmem>>) target_semaphore(%arg17 : memref<!tpu.dma_semaphore, #tpu.memory_space<semaphore_mem>>)
    %add3A_126 = arith.constant 49152 : i32
    %add3A_127 = arith.addi %mul3A_2, %add3A_126 : i32
    %dma_start3A_128 = tpu.memref_slice %arg4[%add3A_127] : memref<2097152xi32, #tpu.memory_space<hbm>> -> memref<8192xi32, #tpu.memory_space<hbm>>
    %dma_start3A_129 = tpu.memref_slice %arg4[%add3A_127] : memref<2097152xi32, #tpu.memory_space<hbm>> -> memref<8192xi32, #tpu.memory_space<hbm>>
    tpu.enqueue_dma source(%dma_start3A_129 : memref<8192xi32, #tpu.memory_space<hbm>>) target(%arg6 : memref<8192xi32, #tpu.memory_space<vmem>>) target_semaphore(%arg15 : memref<!tpu.dma_semaphore, #tpu.memory_space<semaphore_mem>>)
    %dma_wait3A_130 = tpu.memref_slice %arg5[%add3A_86] : memref<2097152xf32, #tpu.memory_space<hbm>> -> memref<8192xf32, #tpu.memory_space<hbm>>
    %dma_wait3A_131 = tpu.memref_slice %arg5[%add3A_86] : memref<2097152xf32, #tpu.memory_space<hbm>> -> memref<8192xf32, #tpu.memory_space<hbm>>
    tpu.wait_dma2 semaphore(%arg18 : memref<!tpu.dma_semaphore, #tpu.memory_space<semaphore_mem>>) src(%arg12 : memref<8192xf32, #tpu.memory_space<vmem>>) dst(%dma_wait3A_131 : memref<8192xf32, #tpu.memory_space<hbm>>)
    %parallel_loop3A_132 = arith.constant 0 : i32
    %parallel_loop3A_133 = arith.constant 512 : i32
    %parallel_loop3A_134 = arith.constant 1 : i32
    scf.for %parallel_loop3A_202 = %parallel_loop3A_132 to %parallel_loop3A_133 step %parallel_loop3A_134  : i32 {
      %parallel_loop3A_203 = arith.constant 16 : i32
      %parallel_loop3A_204 = arith.muli %parallel_loop3A_202, %parallel_loop3A_203 : i32
      %parallel_loop3A_205 = arith.index_cast %parallel_loop3A_204 : i32 to index
      %parallel_loop3A_206 = tpu.vector_load %arg10[%parallel_loop3A_205] {strides = array<i32>} : memref<8192xf32, #tpu.memory_space<vmem>>, vector<16xf32>,
      %parallel_loop3A_207 = vector.shape_cast %parallel_loop3A_206 : vector<16xf32> to vector<16xf32>
      %parallel_loop3A_208 = arith.constant 16 : i32
      %parallel_loop3A_209 = arith.muli %parallel_loop3A_202, %parallel_loop3A_208 : i32
      %parallel_loop3A_210 = arith.index_cast %parallel_loop3A_209 : i32 to index
      %parallel_loop3A_211 = tpu.vector_load %arg8[%parallel_loop3A_210] {strides = array<i32>} : memref<8192xf32, #tpu.memory_space<vmem>>, vector<16xf32>,
      %parallel_loop3A_212 = vector.shape_cast %parallel_loop3A_211 : vector<16xf32> to vector<16xf32>
      %parallel_loop3A_213 = arith.cmpf ogt, %parallel_loop3A_207, %parallel_loop3A_212 : vector<16xf32>
      %parallel_loop3A_214 = arith.constant 1.000000e+00 : f32
      %parallel_loop3A_215 = arith.constant 0.000000e+00 : f32
      %parallel_loop3A_216 = vector.broadcast %parallel_loop3A_214 : f32 to vector<16xf32>
      %parallel_loop3A_217 = vector.broadcast %parallel_loop3A_215 : f32 to vector<16xf32>
      %parallel_loop3A_218 = arith.select %parallel_loop3A_213, %parallel_loop3A_216, %parallel_loop3A_217 : vector<16xi1>, vector<16xf32>
      %parallel_loop3A_219 = arith.constant 16 : i32
      %parallel_loop3A_220 = arith.muli %parallel_loop3A_202, %parallel_loop3A_219 : i32
      %parallel_loop3A_221 = arith.index_cast %parallel_loop3A_220 : i32 to index
      %parallel_loop3A_222 = tpu.vector_load %arg12[%parallel_loop3A_221] {strides = array<i32>} : memref<8192xf32, #tpu.memory_space<vmem>>, vector<16xf32>,
      %parallel_loop3A_223 = vector.shape_cast %parallel_loop3A_222 : vector<16xf32> to vector<16xf32>
      %parallel_loop3A_224 = vector.shape_cast %parallel_loop3A_218 : vector<16xf32> to vector<16xf32>
      tpu.vector_store %arg12[%parallel_loop3A_221], %parallel_loop3A_224 {strides = array<i32>} : memref<8192xf32, #tpu.memory_space<vmem>>, vector<16xf32>,
    } {sc.loop_unroll_factor = 4 : i64, sc.parallel_access}
    %add3A_135 = arith.constant 32768 : i32
    %add3A_136 = arith.addi %mul3A_2, %add3A_135 : i32
    %dma_start3A_137 = tpu.memref_slice %arg5[%add3A_136] : memref<2097152xf32, #tpu.memory_space<hbm>> -> memref<8192xf32, #tpu.memory_space<hbm>>
    %dma_start3A_138 = tpu.memref_slice %arg5[%add3A_136] : memref<2097152xf32, #tpu.memory_space<hbm>> -> memref<8192xf32, #tpu.memory_space<hbm>>
    tpu.enqueue_dma source(%arg12 : memref<8192xf32, #tpu.memory_space<vmem>>) target(%dma_start3A_138 : memref<8192xf32, #tpu.memory_space<hbm>>) target_semaphore(%arg18 : memref<!tpu.dma_semaphore, #tpu.memory_space<semaphore_mem>>)
    %dma_wait3A_139 = arith.constant 0 : i32
    %dma_wait3A_140 = tpu.memref_slice %arg14[%dma_wait3A_139] : memref<1000000xf32, #tpu.memory_space<vmem_shared>> -> memref<1000000xf32, #tpu.memory_space<vmem_shared>>
    tpu.wait_indirect_dma semaphore(%arg16 : memref<!tpu.dma_semaphore, #tpu.memory_space<semaphore_mem>>) src(%dma_wait3A_140 : memref<1000000xf32, #tpu.memory_space<vmem_shared>>) dst(%arg9 : memref<8192xf32, #tpu.memory_space<vmem>>)
    %dma_wait3A_141 = tpu.memref_slice %arg2[%add3A_123] : memref<2097152xf32, #tpu.memory_space<hbm>> -> memref<8192xf32, #tpu.memory_space<hbm>>
    %dma_wait3A_142 = tpu.memref_slice %arg2[%add3A_123] : memref<2097152xf32, #tpu.memory_space<hbm>> -> memref<8192xf32, #tpu.memory_space<hbm>>
    tpu.wait_dma2 semaphore(%arg17 : memref<!tpu.dma_semaphore, #tpu.memory_space<semaphore_mem>>) src(%dma_wait3A_142 : memref<8192xf32, #tpu.memory_space<hbm>>) dst(%arg11 : memref<8192xf32, #tpu.memory_space<vmem>>)
    %dma_wait3A_143 = tpu.memref_slice %arg4[%add3A_127] : memref<2097152xi32, #tpu.memory_space<hbm>> -> memref<8192xi32, #tpu.memory_space<hbm>>
    %dma_wait3A_144 = tpu.memref_slice %arg4[%add3A_127] : memref<2097152xi32, #tpu.memory_space<hbm>> -> memref<8192xi32, #tpu.memory_space<hbm>>
    tpu.wait_dma2 semaphore(%arg15 : memref<!tpu.dma_semaphore, #tpu.memory_space<semaphore_mem>>) src(%dma_wait3A_144 : memref<8192xi32, #tpu.memory_space<hbm>>) dst(%arg6 : memref<8192xi32, #tpu.memory_space<vmem>>)
    %dma_start3A_145 = arith.constant 0 : i32
    %dma_start3A_146 = tpu.memref_slice %arg14[%dma_start3A_145] : memref<1000000xf32, #tpu.memory_space<vmem_shared>> -> memref<1000000xf32, #tpu.memory_space<vmem_shared>>
    tpu.enqueue_indirect_dma source(%dma_start3A_146 : memref<1000000xf32, #tpu.memory_space<vmem_shared>>) target(%arg8 : memref<8192xf32, #tpu.memory_space<vmem>>) offsets(%arg6 : memref<8192xi32, #tpu.memory_space<vmem>>) semaphore(%arg16 : memref<!tpu.dma_semaphore, #tpu.memory_space<semaphore_mem>>)
    %add3A_147 = arith.constant 49152 : i32
    %add3A_148 = arith.addi %mul3A_2, %add3A_147 : i32
    %dma_start3A_149 = tpu.memref_slice %arg2[%add3A_148] : memref<2097152xf32, #tpu.memory_space<hbm>> -> memref<8192xf32, #tpu.memory_space<hbm>>
    %dma_start3A_150 = tpu.memref_slice %arg2[%add3A_148] : memref<2097152xf32, #tpu.memory_space<hbm>> -> memref<8192xf32, #tpu.memory_space<hbm>>
    tpu.enqueue_dma source(%dma_start3A_150 : memref<8192xf32, #tpu.memory_space<hbm>>) target(%arg10 : memref<8192xf32, #tpu.memory_space<vmem>>) target_semaphore(%arg17 : memref<!tpu.dma_semaphore, #tpu.memory_space<semaphore_mem>>)
    %add3A_151 = arith.constant 57344 : i32
    %add3A_152 = arith.addi %mul3A_2, %add3A_151 : i32
    %dma_start3A_153 = tpu.memref_slice %arg4[%add3A_152] : memref<2097152xi32, #tpu.memory_space<hbm>> -> memref<8192xi32, #tpu.memory_space<hbm>>
    %dma_start3A_154 = tpu.memref_slice %arg4[%add3A_152] : memref<2097152xi32, #tpu.memory_space<hbm>> -> memref<8192xi32, #tpu.memory_space<hbm>>
    tpu.enqueue_dma source(%dma_start3A_154 : memref<8192xi32, #tpu.memory_space<hbm>>) target(%arg7 : memref<8192xi32, #tpu.memory_space<vmem>>) target_semaphore(%arg15 : memref<!tpu.dma_semaphore, #tpu.memory_space<semaphore_mem>>)
    %dma_wait3A_155 = tpu.memref_slice %arg5[%add3A_111] : memref<2097152xf32, #tpu.memory_space<hbm>> -> memref<8192xf32, #tpu.memory_space<hbm>>
    %dma_wait3A_156 = tpu.memref_slice %arg5[%add3A_111] : memref<2097152xf32, #tpu.memory_space<hbm>> -> memref<8192xf32, #tpu.memory_space<hbm>>
    tpu.wait_dma2 semaphore(%arg18 : memref<!tpu.dma_semaphore, #tpu.memory_space<semaphore_mem>>) src(%arg13 : memref<8192xf32, #tpu.memory_space<vmem>>) dst(%dma_wait3A_156 : memref<8192xf32, #tpu.memory_space<hbm>>)
    %parallel_loop3A_157 = arith.constant 0 : i32
    %parallel_loop3A_158 = arith.constant 512 : i32
    %parallel_loop3A_159 = arith.constant 1 : i32
    scf.for %parallel_loop3A_202 = %parallel_loop3A_157 to %parallel_loop3A_158 step %parallel_loop3A_159  : i32 {
      %parallel_loop3A_203 = arith.constant 16 : i32
      %parallel_loop3A_204 = arith.muli %parallel_loop3A_202, %parallel_loop3A_203 : i32
      %parallel_loop3A_205 = arith.index_cast %parallel_loop3A_204 : i32 to index
      %parallel_loop3A_206 = tpu.vector_load %arg11[%parallel_loop3A_205] {strides = array<i32>} : memref<8192xf32, #tpu.memory_space<vmem>>, vector<16xf32>,
      %parallel_loop3A_207 = vector.shape_cast %parallel_loop3A_206 : vector<16xf32> to vector<16xf32>
      %parallel_loop3A_208 = arith.constant 16 : i32
      %parallel_loop3A_209 = arith.muli %parallel_loop3A_202, %parallel_loop3A_208 : i32
      %parallel_loop3A_210 = arith.index_cast %parallel_loop3A_209 : i32 to index
      %parallel_loop3A_211 = tpu.vector_load %arg9[%parallel_loop3A_210] {strides = array<i32>} : memref<8192xf32, #tpu.memory_space<vmem>>, vector<16xf32>,
      %parallel_loop3A_212 = vector.shape_cast %parallel_loop3A_211 : vector<16xf32> to vector<16xf32>
      %parallel_loop3A_213 = arith.cmpf ogt, %parallel_loop3A_207, %parallel_loop3A_212 : vector<16xf32>
      %parallel_loop3A_214 = arith.constant 1.000000e+00 : f32
      %parallel_loop3A_215 = arith.constant 0.000000e+00 : f32
      %parallel_loop3A_216 = vector.broadcast %parallel_loop3A_214 : f32 to vector<16xf32>
      %parallel_loop3A_217 = vector.broadcast %parallel_loop3A_215 : f32 to vector<16xf32>
      %parallel_loop3A_218 = arith.select %parallel_loop3A_213, %parallel_loop3A_216, %parallel_loop3A_217 : vector<16xi1>, vector<16xf32>
      %parallel_loop3A_219 = arith.constant 16 : i32
      %parallel_loop3A_220 = arith.muli %parallel_loop3A_202, %parallel_loop3A_219 : i32
      %parallel_loop3A_221 = arith.index_cast %parallel_loop3A_220 : i32 to index
      %parallel_loop3A_222 = tpu.vector_load %arg13[%parallel_loop3A_221] {strides = array<i32>} : memref<8192xf32, #tpu.memory_space<vmem>>, vector<16xf32>,
      %parallel_loop3A_223 = vector.shape_cast %parallel_loop3A_222 : vector<16xf32> to vector<16xf32>
      %parallel_loop3A_224 = vector.shape_cast %parallel_loop3A_218 : vector<16xf32> to vector<16xf32>
      tpu.vector_store %arg13[%parallel_loop3A_221], %parallel_loop3A_224 {strides = array<i32>} : memref<8192xf32, #tpu.memory_space<vmem>>, vector<16xf32>,
    } {sc.loop_unroll_factor = 4 : i64, sc.parallel_access}
    %add3A_160 = arith.constant 40960 : i32
    %add3A_161 = arith.addi %mul3A_2, %add3A_160 : i32
    %dma_start3A_162 = tpu.memref_slice %arg5[%add3A_161] : memref<2097152xf32, #tpu.memory_space<hbm>> -> memref<8192xf32, #tpu.memory_space<hbm>>
    %dma_start3A_163 = tpu.memref_slice %arg5[%add3A_161] : memref<2097152xf32, #tpu.memory_space<hbm>> -> memref<8192xf32, #tpu.memory_space<hbm>>
    tpu.enqueue_dma source(%arg13 : memref<8192xf32, #tpu.memory_space<vmem>>) target(%dma_start3A_163 : memref<8192xf32, #tpu.memory_space<hbm>>) target_semaphore(%arg18 : memref<!tpu.dma_semaphore, #tpu.memory_space<semaphore_mem>>)
    %dma_wait3A_164 = arith.constant 0 : i32
    %dma_wait3A_165 = tpu.memref_slice %arg14[%dma_wait3A_164] : memref<1000000xf32, #tpu.memory_space<vmem_shared>> -> memref<1000000xf32, #tpu.memory_space<vmem_shared>>
    tpu.wait_indirect_dma semaphore(%arg16 : memref<!tpu.dma_semaphore, #tpu.memory_space<semaphore_mem>>) src(%dma_wait3A_165 : memref<1000000xf32, #tpu.memory_space<vmem_shared>>) dst(%arg8 : memref<8192xf32, #tpu.memory_space<vmem>>)
    %dma_wait3A_166 = tpu.memref_slice %arg2[%add3A_148] : memref<2097152xf32, #tpu.memory_space<hbm>> -> memref<8192xf32, #tpu.memory_space<hbm>>
    %dma_wait3A_167 = tpu.memref_slice %arg2[%add3A_148] : memref<2097152xf32, #tpu.memory_space<hbm>> -> memref<8192xf32, #tpu.memory_space<hbm>>
    tpu.wait_dma2 semaphore(%arg17 : memref<!tpu.dma_semaphore, #tpu.memory_space<semaphore_mem>>) src(%dma_wait3A_167 : memref<8192xf32, #tpu.memory_space<hbm>>) dst(%arg10 : memref<8192xf32, #tpu.memory_space<vmem>>)
    %dma_wait3A_168 = tpu.memref_slice %arg4[%add3A_152] : memref<2097152xi32, #tpu.memory_space<hbm>> -> memref<8192xi32, #tpu.memory_space<hbm>>
    %dma_wait3A_169 = tpu.memref_slice %arg4[%add3A_152] : memref<2097152xi32, #tpu.memory_space<hbm>> -> memref<8192xi32, #tpu.memory_space<hbm>>
    tpu.wait_dma2 semaphore(%arg15 : memref<!tpu.dma_semaphore, #tpu.memory_space<semaphore_mem>>) src(%dma_wait3A_169 : memref<8192xi32, #tpu.memory_space<hbm>>) dst(%arg7 : memref<8192xi32, #tpu.memory_space<vmem>>)
    %dma_start3A_170 = arith.constant 0 : i32
    %dma_start3A_171 = tpu.memref_slice %arg14[%dma_start3A_170] : memref<1000000xf32, #tpu.memory_space<vmem_shared>> -> memref<1000000xf32, #tpu.memory_space<vmem_shared>>
    tpu.enqueue_indirect_dma source(%dma_start3A_171 : memref<1000000xf32, #tpu.memory_space<vmem_shared>>) target(%arg9 : memref<8192xf32, #tpu.memory_space<vmem>>) offsets(%arg7 : memref<8192xi32, #tpu.memory_space<vmem>>) semaphore(%arg16 : memref<!tpu.dma_semaphore, #tpu.memory_space<semaphore_mem>>)
    %add3A_172 = arith.constant 57344 : i32
    %add3A_173 = arith.addi %mul3A_2, %add3A_172 : i32
    %dma_start3A_174 = tpu.memref_slice %arg2[%add3A_173] : memref<2097152xf32, #tpu.memory_space<hbm>> -> memref<8192xf32, #tpu.memory_space<hbm>>
    %dma_start3A_175 = tpu.memref_slice %arg2[%add3A_173] : memref<2097152xf32, #tpu.memory_space<hbm>> -> memref<8192xf32, #tpu.memory_space<hbm>>
    tpu.enqueue_dma source(%dma_start3A_175 : memref<8192xf32, #tpu.memory_space<hbm>>) target(%arg11 : memref<8192xf32, #tpu.memory_space<vmem>>) target_semaphore(%arg17 : memref<!tpu.dma_semaphore, #tpu.memory_space<semaphore_mem>>)
    %dma_wait3A_176 = tpu.memref_slice %arg5[%add3A_136] : memref<2097152xf32, #tpu.memory_space<hbm>> -> memref<8192xf32, #tpu.memory_space<hbm>>
    %dma_wait3A_177 = tpu.memref_slice %arg5[%add3A_136] : memref<2097152xf32, #tpu.memory_space<hbm>> -> memref<8192xf32, #tpu.memory_space<hbm>>
    tpu.wait_dma2 semaphore(%arg18 : memref<!tpu.dma_semaphore, #tpu.memory_space<semaphore_mem>>) src(%arg12 : memref<8192xf32, #tpu.memory_space<vmem>>) dst(%dma_wait3A_177 : memref<8192xf32, #tpu.memory_space<hbm>>)
    %parallel_loop3A_178 = arith.constant 0 : i32
    %parallel_loop3A_179 = arith.constant 512 : i32
    %parallel_loop3A_180 = arith.constant 1 : i32
    scf.for %parallel_loop3A_202 = %parallel_loop3A_178 to %parallel_loop3A_179 step %parallel_loop3A_180  : i32 {
      %parallel_loop3A_203 = arith.constant 16 : i32
      %parallel_loop3A_204 = arith.muli %parallel_loop3A_202, %parallel_loop3A_203 : i32
      %parallel_loop3A_205 = arith.index_cast %parallel_loop3A_204 : i32 to index
      %parallel_loop3A_206 = tpu.vector_load %arg10[%parallel_loop3A_205] {strides = array<i32>} : memref<8192xf32, #tpu.memory_space<vmem>>, vector<16xf32>,
      %parallel_loop3A_207 = vector.shape_cast %parallel_loop3A_206 : vector<16xf32> to vector<16xf32>
      %parallel_loop3A_208 = arith.constant 16 : i32
      %parallel_loop3A_209 = arith.muli %parallel_loop3A_202, %parallel_loop3A_208 : i32
      %parallel_loop3A_210 = arith.index_cast %parallel_loop3A_209 : i32 to index
      %parallel_loop3A_211 = tpu.vector_load %arg8[%parallel_loop3A_210] {strides = array<i32>} : memref<8192xf32, #tpu.memory_space<vmem>>, vector<16xf32>,
      %parallel_loop3A_212 = vector.shape_cast %parallel_loop3A_211 : vector<16xf32> to vector<16xf32>
      %parallel_loop3A_213 = arith.cmpf ogt, %parallel_loop3A_207, %parallel_loop3A_212 : vector<16xf32>
      %parallel_loop3A_214 = arith.constant 1.000000e+00 : f32
      %parallel_loop3A_215 = arith.constant 0.000000e+00 : f32
      %parallel_loop3A_216 = vector.broadcast %parallel_loop3A_214 : f32 to vector<16xf32>
      %parallel_loop3A_217 = vector.broadcast %parallel_loop3A_215 : f32 to vector<16xf32>
      %parallel_loop3A_218 = arith.select %parallel_loop3A_213, %parallel_loop3A_216, %parallel_loop3A_217 : vector<16xi1>, vector<16xf32>
      %parallel_loop3A_219 = arith.constant 16 : i32
      %parallel_loop3A_220 = arith.muli %parallel_loop3A_202, %parallel_loop3A_219 : i32
      %parallel_loop3A_221 = arith.index_cast %parallel_loop3A_220 : i32 to index
      %parallel_loop3A_222 = tpu.vector_load %arg12[%parallel_loop3A_221] {strides = array<i32>} : memref<8192xf32, #tpu.memory_space<vmem>>, vector<16xf32>,
      %parallel_loop3A_223 = vector.shape_cast %parallel_loop3A_222 : vector<16xf32> to vector<16xf32>
      %parallel_loop3A_224 = vector.shape_cast %parallel_loop3A_218 : vector<16xf32> to vector<16xf32>
      tpu.vector_store %arg12[%parallel_loop3A_221], %parallel_loop3A_224 {strides = array<i32>} : memref<8192xf32, #tpu.memory_space<vmem>>, vector<16xf32>,
    } {sc.loop_unroll_factor = 4 : i64, sc.parallel_access}
    %add3A_181 = arith.constant 49152 : i32
    %add3A_182 = arith.addi %mul3A_2, %add3A_181 : i32
    %dma_start3A_183 = tpu.memref_slice %arg5[%add3A_182] : memref<2097152xf32, #tpu.memory_space<hbm>> -> memref<8192xf32, #tpu.memory_space<hbm>>
    %dma_start3A_184 = tpu.memref_slice %arg5[%add3A_182] : memref<2097152xf32, #tpu.memory_space<hbm>> -> memref<8192xf32, #tpu.memory_space<hbm>>
    tpu.enqueue_dma source(%arg12 : memref<8192xf32, #tpu.memory_space<vmem>>) target(%dma_start3A_184 : memref<8192xf32, #tpu.memory_space<hbm>>) target_semaphore(%arg18 : memref<!tpu.dma_semaphore, #tpu.memory_space<semaphore_mem>>)
    %dma_wait3A_185 = arith.constant 0 : i32
    %dma_wait3A_186 = tpu.memref_slice %arg14[%dma_wait3A_185] : memref<1000000xf32, #tpu.memory_space<vmem_shared>> -> memref<1000000xf32, #tpu.memory_space<vmem_shared>>
    tpu.wait_indirect_dma semaphore(%arg16 : memref<!tpu.dma_semaphore, #tpu.memory_space<semaphore_mem>>) src(%dma_wait3A_186 : memref<1000000xf32, #tpu.memory_space<vmem_shared>>) dst(%arg9 : memref<8192xf32, #tpu.memory_space<vmem>>)
    %dma_wait3A_187 = tpu.memref_slice %arg2[%add3A_173] : memref<2097152xf32, #tpu.memory_space<hbm>> -> memref<8192xf32, #tpu.memory_space<hbm>>
    %dma_wait3A_188 = tpu.memref_slice %arg2[%add3A_173] : memref<2097152xf32, #tpu.memory_space<hbm>> -> memref<8192xf32, #tpu.memory_space<hbm>>
    tpu.wait_dma2 semaphore(%arg17 : memref<!tpu.dma_semaphore, #tpu.memory_space<semaphore_mem>>) src(%dma_wait3A_188 : memref<8192xf32, #tpu.memory_space<hbm>>) dst(%arg11 : memref<8192xf32, #tpu.memory_space<vmem>>)
    %dma_wait3A_189 = tpu.memref_slice %arg5[%add3A_161] : memref<2097152xf32, #tpu.memory_space<hbm>> -> memref<8192xf32, #tpu.memory_space<hbm>>
    %dma_wait3A_190 = tpu.memref_slice %arg5[%add3A_161] : memref<2097152xf32, #tpu.memory_space<hbm>> -> memref<8192xf32, #tpu.memory_space<hbm>>
    tpu.wait_dma2 semaphore(%arg18 : memref<!tpu.dma_semaphore, #tpu.memory_space<semaphore_mem>>) src(%arg13 : memref<8192xf32, #tpu.memory_space<vmem>>) dst(%dma_wait3A_190 : memref<8192xf32, #tpu.memory_space<hbm>>)
    %parallel_loop3A_191 = arith.constant 0 : i32
    %parallel_loop3A_192 = arith.constant 512 : i32
    %parallel_loop3A_193 = arith.constant 1 : i32
    scf.for %parallel_loop3A_202 = %parallel_loop3A_191 to %parallel_loop3A_192 step %parallel_loop3A_193  : i32 {
      %parallel_loop3A_203 = arith.constant 16 : i32
      %parallel_loop3A_204 = arith.muli %parallel_loop3A_202, %parallel_loop3A_203 : i32
      %parallel_loop3A_205 = arith.index_cast %parallel_loop3A_204 : i32 to index
      %parallel_loop3A_206 = tpu.vector_load %arg11[%parallel_loop3A_205] {strides = array<i32>} : memref<8192xf32, #tpu.memory_space<vmem>>, vector<16xf32>,
      %parallel_loop3A_207 = vector.shape_cast %parallel_loop3A_206 : vector<16xf32> to vector<16xf32>
      %parallel_loop3A_208 = arith.constant 16 : i32
      %parallel_loop3A_209 = arith.muli %parallel_loop3A_202, %parallel_loop3A_208 : i32
      %parallel_loop3A_210 = arith.index_cast %parallel_loop3A_209 : i32 to index
      %parallel_loop3A_211 = tpu.vector_load %arg9[%parallel_loop3A_210] {strides = array<i32>} : memref<8192xf32, #tpu.memory_space<vmem>>, vector<16xf32>,
      %parallel_loop3A_212 = vector.shape_cast %parallel_loop3A_211 : vector<16xf32> to vector<16xf32>
      %parallel_loop3A_213 = arith.cmpf ogt, %parallel_loop3A_207, %parallel_loop3A_212 : vector<16xf32>
      %parallel_loop3A_214 = arith.constant 1.000000e+00 : f32
      %parallel_loop3A_215 = arith.constant 0.000000e+00 : f32
      %parallel_loop3A_216 = vector.broadcast %parallel_loop3A_214 : f32 to vector<16xf32>
      %parallel_loop3A_217 = vector.broadcast %parallel_loop3A_215 : f32 to vector<16xf32>
      %parallel_loop3A_218 = arith.select %parallel_loop3A_213, %parallel_loop3A_216, %parallel_loop3A_217 : vector<16xi1>, vector<16xf32>
      %parallel_loop3A_219 = arith.constant 16 : i32
      %parallel_loop3A_220 = arith.muli %parallel_loop3A_202, %parallel_loop3A_219 : i32
      %parallel_loop3A_221 = arith.index_cast %parallel_loop3A_220 : i32 to index
      %parallel_loop3A_222 = tpu.vector_load %arg13[%parallel_loop3A_221] {strides = array<i32>} : memref<8192xf32, #tpu.memory_space<vmem>>, vector<16xf32>,
      %parallel_loop3A_223 = vector.shape_cast %parallel_loop3A_222 : vector<16xf32> to vector<16xf32>
      %parallel_loop3A_224 = vector.shape_cast %parallel_loop3A_218 : vector<16xf32> to vector<16xf32>
      tpu.vector_store %arg13[%parallel_loop3A_221], %parallel_loop3A_224 {strides = array<i32>} : memref<8192xf32, #tpu.memory_space<vmem>>, vector<16xf32>,
    } {sc.loop_unroll_factor = 4 : i64, sc.parallel_access}
    %add3A_194 = arith.constant 57344 : i32
    %add3A_195 = arith.addi %mul3A_2, %add3A_194 : i32
    %dma_start3A_196 = tpu.memref_slice %arg5[%add3A_195] : memref<2097152xf32, #tpu.memory_space<hbm>> -> memref<8192xf32, #tpu.memory_space<hbm>>
    %dma_start3A_197 = tpu.memref_slice %arg5[%add3A_195] : memref<2097152xf32, #tpu.memory_space<hbm>> -> memref<8192xf32, #tpu.memory_space<hbm>>
    tpu.enqueue_dma source(%arg13 : memref<8192xf32, #tpu.memory_space<vmem>>) target(%dma_start3A_197 : memref<8192xf32, #tpu.memory_space<hbm>>) target_semaphore(%arg18 : memref<!tpu.dma_semaphore, #tpu.memory_space<semaphore_mem>>)
    %dma_wait3A_198 = tpu.memref_slice %arg5[%add3A_182] : memref<2097152xf32, #tpu.memory_space<hbm>> -> memref<8192xf32, #tpu.memory_space<hbm>>
    %dma_wait3A_199 = tpu.memref_slice %arg5[%add3A_182] : memref<2097152xf32, #tpu.memory_space<hbm>> -> memref<8192xf32, #tpu.memory_space<hbm>>
    tpu.wait_dma2 semaphore(%arg18 : memref<!tpu.dma_semaphore, #tpu.memory_space<semaphore_mem>>) src(%arg12 : memref<8192xf32, #tpu.memory_space<vmem>>) dst(%dma_wait3A_199 : memref<8192xf32, #tpu.memory_space<hbm>>)
    %dma_wait3A_200 = tpu.memref_slice %arg5[%add3A_195] : memref<2097152xf32, #tpu.memory_space<hbm>> -> memref<8192xf32, #tpu.memory_space<hbm>>
    %dma_wait3A_201 = tpu.memref_slice %arg5[%add3A_195] : memref<2097152xf32, #tpu.memory_space<hbm>> -> memref<8192xf32, #tpu.memory_space<hbm>>
    tpu.wait_dma2 semaphore(%arg18 : memref<!tpu.dma_semaphore, #tpu.memory_space<semaphore_mem>>) src(%arg13 : memref<8192xf32, #tpu.memory_space<vmem>>) dst(%dma_wait3A_201 : memref<8192xf32, #tpu.memory_space<hbm>>)
    return
  }
}

</mosaic_0001>

<sc_bundles>
// kernel: _run.3.cloned.1.call-start
scs
__scs_entry_jumppad:
0x0: {  	(pc) =	sbr.rel $0x88, $3  }
0x1: {  	(tag) =	ssettag $0x0;
	lr =	simm.s32 $0x1  }
0x2: {  	[smem:$0x3F9E] =	sst lr;
	_ =	strace $0xD0000000  }
0x3: {  	_ = 	snop  }
0x4: {  	_ = 	snop  }
0x5: {  	_ = 	snop  }
0x6: {  	_ = 	snop  }
0x7: {  	_ = 	snop  }
__scs_overlays_trampoline_lowered:
0x8: {  	[smem:$0x3FAD] =	sst s0  }
0x9: {  	[smem:$0x3FAE] =	sst s1  }
0xa: {  	[smem:$0x3FAF] =	sst s2  }
0xb: {  	[smem:$0x3FB0] =	sst s3  }
0xc: {  	[smem:$0x3FB1] =	sst s4  }
0xd: {  	[smem:$0x3FB2] =	sst s5  }
0xe: {  	[smem:$0x3FB3] =	sst s6  }
0xf: {  	[smem:$0x3FB4] =	sst s7  }
0x10: {  	[smem:$0x3FB5] =	sst s8  }
0x11: {  	[smem:$0x3FB6] =	sst s9;
	s0 =	simm.s32 @!p0 $0x0  }
0x12: {  	s1 =	sld [smem:$0x3F9C];
	s0 =	simm.s32 @p0 $0x1  }
0x13: {  	[smem:$0x3FB7] =	sst s0;
	s0 =	simm.s32 @!p1 $0x0  }
0x14: {  	s2 =	sld [smem:$0x3F9B];
	s0 =	simm.s32 @p1 $0x1  }
0x15: {  	[smem:$0x3FB8] =	sst s0;
	s0 =	simm.s32 @!p2 $0x0  }
0x16: {  	s3 =	sld [smem:$0x3FDB];
	s0 =	simm.s32 @p2 $0x1  }
0x17: {  	s4 =	simm.s32 $0x1BF5;
	[smem:$0x3FBA] =	sst s0  }
0x18: {  	s0 =	sld [smem:$0x3F9D];
	_ =	swait.ge [sflag:s4], $0x0  }
0x19: {  	s7 =	sld [smem:$0x3F9E]  }
0x1a: {  	s8 =	sadd.s32 $0xFFFFE003, lr  }
0x1b: {  	s9 =	sadd.s32 $0xFFFFFEF7, lr;
	s5 =	simm.s32 $0xFFFFFFFF;
	p2 =	slt.u32 s8, $0xFFFFF086  }
0x1c: {  	p1 =	slt.u32 s9, $0xF7A;
	s5 =	simm.s32 @!p2 $0x0  }
0x1d: {  	s5 =	simm.s32 @p1 $0x1;
	p0 =	seq.s32 s7, s2  }
0x1e: {  	s7 =	smul.u32 @!p0 $0xF7A, s2;
	p2 =	seq.s32 @!p0 s5, $0x0  }
0x1f: {  	s9 =	smul.u32 $0xF7A, s1;
	s8 =	simm.s32 @!p0 $0x1BF5;
	p2 =	por !p2, p0  }
0x20: {  	[sflag:s8] =	ssyncset.s32 @!p0 $0xFFFFF086;
	s6 =	sadd.s32 @!p0 s3, s7;
	s7 =	simm.s32 @!p0 $0x108  }
0x21: {  	s3 =	sadd.s32 s3, s9;
	s6 =	sadd.s32 @!p0 $0x88, s6;
	s7 =	simm.s32 @p2 $0x1082  }
0x22: {  	[simem:s7], [sflag:s8] =	dma.local @!p0 [hbm:s6], $0xF7A  }
0x23: {  	s9 =	sor.u32 $0xD0000000, s2;
	s6 =	simm.s32 $0x108;
	_ =	swait.ge @!p0 [sflag:s8], $0x0  }
0x24: {  	s3 =	sadd.s32 $0x88, s3;
	s6 =	simm.s32 @!p1 $0x1082;
	[sflag:s4] =	ssyncset.s32 $0xFFFFF086  }
0x25: {  	[simem:s6], [sflag:s4] =	dma.local [hbm:s3], $0xF7A  }
0x26: {  	[smem:$0x3F9E] =	sst s1;
	(tag) =	ssettag s2;
	_ =	strace s9  }
0x27: {  	s1 =	sld [smem:$0x3FAE]  }
0x28: {  	s2 =	sld [smem:$0x3FAF]  }
0x29: {  	s4 =	sld [smem:$0x3FB1]  }
0x2a: {  	p0 =	seq.s32 s5, $0x0;
	s5 =	sld [smem:$0x3FB2]  }
0x2b: {  	s6 =	sld [smem:$0x3FB3]  }
0x2c: {  	s7 =	sld [smem:$0x3FB4]  }
0x2d: {  	s3 =	simm.s32 $0x108;
	s8 =	sld [smem:$0x3FB5]  }
0x2e: {  	s3 =	simm.s32 @!p0 $0x1082;
	s9 =	sld [smem:$0x3FB6]  }
0x2f: {  	lr =	sadd.s32 s0, s3;
	s0 =	sld [smem:$0x3FAD]  }
0x30: {  	s3 =	sld [smem:$0x3FB0]  }
0x31: {  	[smem:$0x3FB9] =	sst s10  }
0x32: {  	s10 =	sld [smem:$0x3FB7];
	_ =	sdelay $0x3  }
0x33: {  	p0 =	seq.s32 s10, $0x1;
	s10 =	sld [smem:$0x3FB9];
	_ =	sdelay $0x3  }
0x34: {  	[smem:$0x3FB9] =	sst s10  }
0x35: {  	s10 =	sld [smem:$0x3FB8];
	_ =	sdelay $0x3  }
0x36: {  	p1 =	seq.s32 s10, $0x1;
	s10 =	sld [smem:$0x3FB9];
	_ =	sdelay $0x3  }
0x37: {  	[smem:$0x3FB9] =	sst s10  }
0x38: {  	s10 =	sld [smem:$0x3FBA]  }
0x39: {  	_ = 	snop;
	(pc) =	sbr.ind lr, $3  }
0x3a: {  	_ = 	snop  }
0x3b: {  	_ = 	snop  }
0x3c: {  	p2 =	seq.s32 s10, $0x1;
	s10 =	sld [smem:$0x3FB9]  }
0x3d: {  	_ =	shalt  }
0x3e: {  	_ =	shalt  }
0x3f: {  	_ =	shalt  }
0x40: {  	_ =	shalt  }
0x41: {  	_ =	shalt  }
0x42: {  	_ =	shalt  }
0x43: {  	_ =	shalt  }
0x44: {  	_ =	shalt  }
0x45: {  	_ =	shalt  }
0x46: {  	_ =	shalt  }
0x47: {  	_ =	shalt  }
0x48: {  	_ =	shalt  }
0x49: {  	_ =	shalt  }
0x4a: {  	_ =	shalt  }
0x4b: {  	_ =	shalt  }
0x4c: {  	_ =	shalt  }
0x4d: {  	_ =	shalt  }
0x4e: {  	_ =	shalt  }
0x4f: {  	_ =	shalt  }
0x50: {  	_ =	shalt  }
0x51: {  	_ =	shalt  }
0x52: {  	_ =	shalt  }
0x53: {  	_ =	shalt  }
0x54: {  	_ =	shalt  }
0x55: {  	_ =	shalt  }
0x56: {  	_ =	shalt  }
0x57: {  	_ =	shalt  }
0x58: {  	_ =	shalt  }
0x59: {  	_ =	shalt  }
0x5a: {  	_ =	shalt  }
0x5b: {  	_ =	shalt  }
0x5c: {  	_ =	shalt  }
0x5d: {  	_ =	shalt  }
0x5e: {  	_ =	shalt  }
0x5f: {  	_ =	shalt  }
0x60: {  	_ =	shalt  }
0x61: {  	_ =	shalt  }
0x62: {  	_ =	shalt  }
0x63: {  	_ =	shalt  }
0x64: {  	_ =	shalt  }
0x65: {  	_ =	shalt  }
0x66: {  	_ =	shalt  }
0x67: {  	_ =	shalt  }
0x68: {  	_ =	shalt  }
0x69: {  	_ =	shalt  }
0x6a: {  	_ =	shalt  }
0x6b: {  	_ =	shalt  }
0x6c: {  	_ =	shalt  }
0x6d: {  	_ =	shalt  }
0x6e: {  	_ =	shalt  }
0x6f: {  	_ =	shalt  }
0x70: {  	_ =	shalt  }
0x71: {  	_ =	shalt  }
0x72: {  	_ =	shalt  }
0x73: {  	_ =	shalt  }
0x74: {  	_ =	shalt  }
0x75: {  	_ =	shalt  }
0x76: {  	_ =	shalt  }
0x77: {  	_ =	shalt  }
0x78: {  	_ =	shalt  }
0x79: {  	_ =	shalt  }
0x7a: {  	_ =	shalt  }
0x7b: {  	_ =	shalt  }
0x7c: {  	_ =	shalt  }
0x7d: {  	_ =	shalt  }
0x7e: {  	_ =	shalt  }
0x7f: {  	_ =	shalt  }
0x80: {  	_ =	shalt  }
0x81: {  	_ =	shalt  }
0x82: {  	_ =	shalt  }
0x83: {  	_ =	shalt  }
0x84: {  	_ =	shalt  }
0x85: {  	_ =	shalt  }
0x86: {  	_ =	shalt  }
0x87: {  	_ =	shalt  }
.Lfunc_end0:
.L_simem_size_0:
called_computation_lowered:
.L_overlay_start_0:
0x88: {  	s2 =	sld [smem:$0x3FD9]  }
0x89: {  	s3 =	sld [smem:$0x3FFE];
	_ =	sdelay $0x1  }
0x8a: {  	s1 =	srdreg.scid  }
0x8b: {  	s0 =	sand.u32 $0x1, s1  }
0x8c: {  	s18 =	sshll.u32 s0, $0xA;
	s2 =	sadd.s32 s3, s2  }
0x8d: {  	s2 =	sadd.s32 s2, s18  }
0x8e: {  	[smem:$0x3FC5] =	sst s2  }
0x8f: {  	_ = 	snop  }
0x90: {  	s2 =	sld [smem:$0x3FC9]  }
0x91: {  	s19 =	sld [smem:$0x3FC8]  }
0x92: {  	s4 =	sld [smem:$0x3FC7]  }
0x93: {  	s5 =	sld [smem:$0x3FD0];
	(tm) =	ssettm $0x1  }
0x94: {  	s6 =	sld [smem:$0x3FFB];
	_ =	sdelay $0x3  }
0x95: {  	_ =	strace s6  }
0x96: {  	s6 =	sld [smem:$0x3FFC];
	_ =	sdelay $0x3  }
0x97: {  	_ =	strace s6  }
0x98: {  	s6 =	sld [smem:$0x3FFD];
	_ =	sdelay $0x3  }
0x99: {  	_ =	strace s6  }
0x9a: {  	_ =	strace $0x8FFFFFFF  }
0x9b: {  	s20 =	sld [smem:$0x3FDB];
	_ =	sdelay $0x1  }
0x9c: {  	s7 =	simm.s32 $_scs_section_size  }
0x9d: {  	s8 =	simm.s32 $_size__tile_overlayer_lowered;
	s9 =	simm.s32 $_tile_overlayer_lowered  }
0x9e: {  	s23 =	simm.s32 $0x1BFF;
	s22 =	sshll.u32 s9, $0x1;
	s6 =	sadd.s32 s7, s20  }
0x9f: {  	s10 =	simm.s32 $0x0;
	s21 =	sshll.u32 s8, $0x1;
	s8 =	sadd.s32 s22, s6  }
0xa0: {  	[timem:s10], [sflag:s23] =	dma.local [hbm:s8], s21  }
0xa1: {  	_ =	swait.ge [sflag:s23], s21  }
0xa2: {  	s7 =	ssub.s32 $0x0, s21;
	[sflag:s23] =	ssyncset.done $0x0  }
0xa3: {  	[sflag:s23] =	ssyncadd.s32 s7;
	_ =	sdelay $0x1  }
0xa4: {  	s24 =	simm.s32 $0x1B8B  }
0xa5: {  	_ =	swait.ge [sflag:s24], $0x1  }
0xa6: {  	[sflag:s24] =	ssyncset.done $0x0  }
0xa7: {  	s25 =	simm.s32 $0x1B8E;
	[sflag:s24] =	ssyncadd.s32 $0xFFFFFFFF  }
0xa8: {  	s26 =	simm.s32 $execute0_lowered;
	[smem:$0x3FD2] =	sst s25  }
0xa9: {  	s7 =	sshll.u32 s26, $0x1;
	_ =	strace $0x80000046;
	[dreg:$0x1] =	wrdreg $0xFFFFFFFF  }
0xaa: {  	s28 =	simm.s32 $_size_execute0_lowered;
	s6 =	sadd.s32 s6, s7;
	[dreg:$0x0] =	wrdreg $0x0  }
0xab: {  	s7 =	sshll.u32 s28, $0x1;
	[dreg:$0x2] =	wrdreg s6  }
0xac: {  	[dreg:$0x3] =	wrdreg s7  }
0xad: {  	[dreg:$0x4] =	wrdreg $0xC0  }
0xae: {  	_ =	task [dreg:s10], $0x5FFFF  }
0xaf: {  	[dreg:$0x1] =	wrdreg $0xFFFFFFFF  }
0xb0: {  	[dreg:$0x0] =	wrdreg $0x60  }
0xb1: {  	[dreg:$0x2] =	wrdreg s2  }
0xb2: {  	[dreg:$0x3] =	wrdreg s19  }
0xb3: {  	[dreg:$0x4] =	wrdreg s4  }
0xb4: {  	[dreg:$0x5] =	wrdreg s5  }
0xb5: {  	[dreg:$0x6] =	wrdreg $0x100000  }
0xb6: {  	[dreg:$0x7] =	wrdreg $0x9  }
0xb7: {  	_ =	task.clear_ibuf [dreg:s10], $0x8FFFF;
	_ =	strace $0x90000046  }
0xb8: {  	s29 =	simm.s32 $0x9;
	_ =	strace $0x80000048  }
0xb9: {  	_ =	swait.ge [sflag:s29], $0x1  }
0xba: {  	[sflag:s29] =	ssyncadd.s32 $0xFFFFFFFF  }
0xbb: {  	_ =	strace $0x90000048  }
0xbc: {  	_ =	sfence  }
0xbd: {  	s30 =	sld [smem:$0x0];
	_ =	sdelay $0x2  }
0xbe: {  	s31 =	sshll.u32 s1, $0xD;
	s1 =	sshrl.u32 s1, $0x2  }
0xbf: {  	s3 =	sand.u32 $0x4000, s31;
	s1 =	sadd.s32 s1, s30  }
0xc0: {  	s0 =	sor.u32 s3, s0;
	s1 =	sshll.u32 s1, $0x11  }
0xc1: {  	s0 =	sor.u32 s1, s0  }
0xc2: {  	s0 =	sadd.s32 $0x8F2B, s0  }
0xc3: {  	[sflag:s0] =	ssyncadd.remote.s32 $0x1  }
0xc4: {  	_ =	sfence.sel $0xFFFF  }
0xc5: {  	[dreg:$0x0] =	wrdreg $0xFFFFFFFF;
	(pc) =	sbr.abs _section_cstart, $3  }
0xc6: {  	[dreg:$0x1] =	wrdreg $0xFFFFFFFF  }
0xc7: {  	_ =	task.clear_ibuf [dreg:s10], $0x2FFFF;
	_ =	strace $0x9FFFFFFF  }
0xc8: {  	(tm) =	ssettm $0x7FFFFFFF  }
0xc9: {  	_ =	shalt  }
tec
execute0_lowered:
.L_overlay_start_1:
0x0: {  	(tag) =	ssettag $0x1  }
0x1: {  	s1 =	rddreg [dreg:$0x0]  }
0x2: {  	s2 =	rddreg [dreg:$0x2]  }
0x3: {  	s0 =	srdreg.scid;
	s3 =	rddreg [dreg:$0x3]  }
0x4: {  	s4 =	stileid.u32;
	s30 =	simm.s32 $0x2000;
	s31 =	simm.s32 $0x8000  }
0x5: {  	s0 =	sand.u32 $0x1, s0;
	s6 =	sshll.u32 s4, $0xE;
	p0 =	sne.s32 s4, $0x0  }
0x6: {  	s4 =	simm.s32 $0xA000;
	s5 =	ssub.s32 $0x2, s0;
	s7 =	sshll.u32 s0, $0xD  }
0x7: {  	s0 =	simm.s32 $0x0;
	s8 =	sshrl.u32 s5, $0x1;
	s6 =	sor.u32 s7, s6  }
0x8: {  	[smem:$0x7FF] =	sst s0;
	s5 =	ssub.s32 s5, s8;
	s7 =	sor.u32 $0x400, s6  }
0x9: {  	s14 =	sadd.s32 s2, s6;
	s16 =	sor.u32 $0x800, s6;
	s9 =	sadd.s32 s1, s6  }
0xa: {  	s19 =	sadd.s32 s3, s6;
	s21 =	sor.u32 $0xC00, s6;
	[dreg:$0x6] =	wrdreg s14  }
0xb: {  	s22 =	sor.u32 $0x1000, s6;
	s25 =	sor.u32 $0x1400, s6;
	[dreg:$0x8] =	wrdreg s9  }
0xc: {  	s26 =	sor.u32 $0x1800, s6;
	s15 =	sadd.s32 s2, s7;
	[dreg:$0xb] =	wrdreg s19  }
0xd: {  	s6 =	sor.u32 $0x1C00, s6;
	s17 =	sadd.s32 s1, s7;
	[dreg:$0x7] =	wrdreg s15  }
0xe: {  	s18 =	sadd.s32 s2, s16;
	s20 =	sadd.s32 s1, s16;
	[dreg:$0x9] =	wrdreg s17  }
0xf: {  	s10 =	sadd.s32 s2, s21;
	s7 =	sadd.s32 s3, s7;
	[dreg:$0xa] =	wrdreg s18  }
0x10: {  	s23 =	sadd.s32 s1, s21;
	s24 =	sadd.s32 s2, s22;
	[dreg:$0xc] =	wrdreg s20  }
0x11: {  	s8 =	sadd.s32 s3, s16;
	s13 =	sadd.s32 s1, s22;
	[dreg:$0xd] =	wrdreg s10  }
0x12: {  	s14 =	sadd.s32 s2, s25;
	s16 =	sadd.s32 s2, s26;
	[dreg:$0xe] =	wrdreg s7  }
0x13: {  	s19 =	sadd.s32 s1, s25;
	s28 =	sadd.s32 s3, s6;
	[dreg:$0xf] =	wrdreg s23  }
0x14: {  	s29 =	smax.u32 s5, $0x1;
	s5 =	simm.s32 $0xC000;
	[dreg:$0x10] =	wrdreg s24  }
0x15: {  	[dreg:$0x11] =	wrdreg s8;
	s15 =	sadd.s32 s3, s21;
	s17 =	sadd.s32 s3, s22  }
0x16: {  	s18 =	sadd.s32 s2, s6;
	s20 =	sadd.s32 s3, s25;
	s23 =	sadd.s32 s1, s26  }
0x17: {  	s24 =	sadd.s32 s1, s6;
	s25 =	rddreg [dreg:$0x4];
	s26 =	sadd.s32 s3, s26  }
0x18: {  	s22 =	simm.s32 $0x1;
	s21 =	simm.s32 $0x4000;
	s1 =	simm.s32 $0x2  }
0x19: {  	s2 =	simm.s32 $0x3;
	s3 =	simm.s32 $0x6000;
	s6 =	simm.s32 $0xE000  }
0x1a: {  	v0 =	vimm.f32 $0.0e+00;
	s7 =	simm.s32 $0x4;
	s8 =	simm.s32 $0x0;
	_ =	strace $0x80000047  }
.LBB2_1:
0x1b: {  	s9 =	sshrl.u32 @!p0 s25, $0x3;
	s10 =	simm.s32 @!p0 $0x1C05;
	s11 =	rddreg [dreg:$0x1]  }
0x1c: {  	[spmem:s9], [sflag:s10] =	dma.local @!p0 [hbm:s11], $0x1E850  }
0x1d: {  	s9 =	simm.s32 @!p0 $0x5  }
0x1e: {  	_ =	swait.ge @!p0 [sflag:s9], $0x1E850  }
0x1f: {  	[sflag:s9] =	ssyncset.done @!p0 $0x0  }
0x20: {  	[sflag:s9] =	ssyncadd.s32 @!p0 $0xFFFE17B0  }
0x21: {  	[bflag:$0x0] =	sbarrier.arrive $0xFFFF  }
0x22: {  	s11 =	rddreg [dreg:$0x6]  }
0x23: {  	[tilespmem:s0], [sflag:$0x1] =	stream.linear.gather [hbm4b:s11+s0], $0x2000, $0x38;
	[tilespmem:$0x1F428] =	vst v63  }
0x24: {  	s12 =	rddreg [dreg:$0x7]  }
0x25: {  	[tilespmem:s30], [sflag:$0x1] =	stream.linear.gather [hbm4b:s12+s0], $0x2000, $0x38;
	[tilespmem:$0x1F428] =	vst v63  }
0x26: {  	s10 =	rddreg [dreg:$0x8]  }
0x27: {  	[tilespmem:s31], [sflag:$0x3] =	stream.linear.gather [hbm4b:s10+s0], $0x2000, $0x38;
	[tilespmem:$0x1F428] =	vst v63  }
0x28: {  	_ =	swait.ge [sflag:s22], $0x2000  }
0x29: {  	[sflag:s22] =	ssyncset.done $0x0  }
0x2a: {  	[sflag:s22] =	ssyncadd.s32 $0xFFFFE000  }
0x2b: {  	[tilespmem:s21], [sflag:$0x2] =	stream.indirect.gather [spmem:s25], $0x1, s0, s30, $0xb8;
	[tilespmem:$0x1F428] =	vst v63  }
0x2c: {  	_ =	swait.ge [sflag:s1], $0x2000  }
0x2d: {  	[sflag:s1] =	ssyncset.done $0x0  }
0x2e: {  	[sflag:s1] =	ssyncadd.s32 $0xFFFFE000  }
0x2f: {  	_ =	swait.ge [sflag:s2], $0x2000  }
0x30: {  	[sflag:s2] =	ssyncset.done $0x0  }
0x31: {  	[sflag:s2] =	ssyncadd.s32 $0xFFFFE000  }
0x32: {  	_ =	swait.ge [sflag:s22], $0x2000  }
0x33: {  	[sflag:s22] =	ssyncset.done $0x0  }
0x34: {  	[sflag:s22] =	ssyncadd.s32 $0xFFFFE000  }
0x35: {  	[tilespmem:s3], [sflag:$0x2] =	stream.indirect.gather [spmem:s25], $0x1, s30, s30, $0xb8;
	[tilespmem:$0x1F428] =	vst v63  }
0x36: {  	s11 =	rddreg [dreg:$0x9]  }
0x37: {  	[tilespmem:s4], [sflag:$0x3] =	stream.linear.gather [hbm4b:s11+s0], $0x2000, $0x38;
	[tilespmem:$0x1F428] =	vst v63  }
0x38: {  	s12 =	rddreg [dreg:$0xa]  }
0x39: {  	[tilespmem:s0], [sflag:$0x1] =	stream.linear.gather [hbm4b:s12+s0], $0x2000, $0x38;
	[tilespmem:$0x1F428] =	vst v63  }
0x3a: {  	s12 =	simm.s32 $0x8020  }
0x3b: {  	s10 =	simm.s32 $0x4020;
	v6 =	vld [tilespmem:s12+$0x10]  }
0x3c: {  	v7 =	vld [tilespmem:s10+$0x10]  }
0x3d: {  	v3 =	vld [tilespmem:s10+$0xFFFFFFE0]  }
0x3e: {  	v2 =	vld [tilespmem:s12+$0xFFFFFFF0]  }
0x3f: {  	v5 =	vld [tilespmem:s10+$0xFFFFFFF0]  }
0x40: {  	v1 =	vld [tilespmem:s12+$0x0]  }
0x41: {  	v4 =	vld [tilespmem:s10+$0x0];
	vm0 =	vgt.f32 v6, v7  }
0x42: {  	s9 =	simm.s32 $0xC020;
	s11 =	simm.s32 $0x0;
	v6 =	vld [tilespmem:s12+$0xFFFFFFE0];
	s12 =	simm.s32 $0x8060;
	v7 =	vsel vm0, $0x3F800000, v0  }
.LBB2_2:
0x43: {  	v8 =	vld [tilespmem:s12+$0x10];
	[tilespmem:s9+$0x10] =	vst v7;
	s10 =	sadd.s32 $0x40, s10  }
0x44: {  	s11 =	sadd.s32 $0x4, s11;
	v7 =	vld [tilespmem:s10+$0x10];
	vm0 =	vgt.f32 v2, v5  }
0x45: {  	p1 =	slt.u32 s11, $0x1FC;
	v9 =	vld [tilespmem:s10+$0xFFFFFFE0];
	v5 =	vsel vm0, $0x3F800000, v0  }
.Ltmp0:
0x46: {  	v2 =	vld [tilespmem:s12+$0xFFFFFFF0];
	[tilespmem:s9+$0xFFFFFFF0] =	vst v5;
	vm0 =	vgt.f32 v1, v4;
	(pc) =	sbr.rel @p1 .LBB2_2-.Ltmp0, $4  }
0x47: {  	v5 =	vld [tilespmem:s10+$0xFFFFFFF0];
	vm1 =	vgt.f32 v6, v3;
	v3 =	vsel vm0, $0x3F800000, v0  }
0x48: {  	v1 =	vld [tilespmem:s12+$0x0];
	v6 =	vsel vm1, $0x3F800000, v0;
	[tilespmem:s9+$0x0] =	vst v3  }
0x49: {  	v4 =	vld [tilespmem:s10+$0x0];
	vm0 =	vgt.f32 v8, v7;
	[tilespmem:s9+$0xFFFFFFE0] =	vst v6  }
0x4a: {  	s9 =	sadd.s32 $0x40, s9;
	v6 =	vld [tilespmem:s12+$0xFFFFFFE0];
	v7 =	vsel vm0, $0x3F800000, v0;
	s12 =	sadd.s32 $0x40, s12;
	v3 =	vmov v9  }
0x4b: {  	_ =	sdelay $0x1  }
0x4c: {  	vm0 =	vgt.f32 v2, v5  }
0x4d: {  	[tilespmem:s9+$0x10] =	vst v7;
	v2 =	vsel vm0, $0x3F800000, v0;
	vm14 =	vgt.f32 v1, v4  }
0x4e: {  	[tilespmem:s9+$0xFFFFFFF0] =	vst v2;
	vm1 =	vgt.f32 v6, v3;
	v1 =	vsel vm14, $0x3F800000, v0  }
0x4f: {  	v2 =	vsel vm1, $0x3F800000, v0;
	[tilespmem:s9+$0x0] =	vst v1  }
0x50: {  	[tilespmem:s9+$0xFFFFFFE0] =	vst v2  }
0x51: {  	s9 =	rddreg [dreg:$0xb]  }
0x52: {  	[hbm4b:s9+s0] =	stream.linear.scatter [tilespmem:s5], [sflag:$0x4], $0x2000, $0x38;
	[tilespmem:$0x1F428] =	vst v63  }
0x53: {  	_ =	swait.ge [sflag:s1], $0x2000  }
0x54: {  	[sflag:s1] =	ssyncset.done $0x0  }
0x55: {  	[sflag:s1] =	ssyncadd.s32 $0xFFFFE000  }
0x56: {  	_ =	swait.ge [sflag:s2], $0x2000  }
0x57: {  	[sflag:s2] =	ssyncset.done $0x0  }
0x58: {  	[sflag:s2] =	ssyncadd.s32 $0xFFFFE000  }
0x59: {  	_ =	swait.ge [sflag:s22], $0x2000  }
0x5a: {  	[sflag:s22] =	ssyncset.done $0x0  }
0x5b: {  	[sflag:s22] =	ssyncadd.s32 $0xFFFFE000  }
0x5c: {  	[tilespmem:s21], [sflag:$0x2] =	stream.indirect.gather [spmem:s25], $0x1, s0, s30, $0xb8;
	[tilespmem:$0x1F428] =	vst v63  }
0x5d: {  	s11 =	rddreg [dreg:$0xc]  }
0x5e: {  	[tilespmem:s31], [sflag:$0x3] =	stream.linear.gather [hbm4b:s11+s0], $0x2000, $0x38;
	[tilespmem:$0x1F428] =	vst v63  }
0x5f: {  	s12 =	rddreg [dreg:$0xd]  }
0x60: {  	[tilespmem:s30], [sflag:$0x1] =	stream.linear.gather [hbm4b:s12+s0], $0x2000, $0x38;
	[tilespmem:$0x1F428] =	vst v63  }
0x61: {  	s12 =	simm.s32 $0xA020  }
0x62: {  	s10 =	simm.s32 $0x6020;
	v6 =	vld [tilespmem:s12+$0x10]  }
0x63: {  	v7 =	vld [tilespmem:s10+$0x10]  }
0x64: {  	v3 =	vld [tilespmem:s10+$0xFFFFFFE0]  }
0x65: {  	v2 =	vld [tilespmem:s12+$0xFFFFFFF0]  }
0x66: {  	v5 =	vld [tilespmem:s10+$0xFFFFFFF0]  }
0x67: {  	v1 =	vld [tilespmem:s12+$0x0]  }
0x68: {  	v4 =	vld [tilespmem:s10+$0x0];
	vm15 =	vgt.f32 v6, v7  }
0x69: {  	s9 =	simm.s32 $0xE020;
	s11 =	simm.s32 $0x0;
	v6 =	vld [tilespmem:s12+$0xFFFFFFE0];
	s12 =	simm.s32 $0xA060;
	v7 =	vsel vm15, $0x3F800000, v0  }
.LBB2_4:
0x6a: {  	v8 =	vld [tilespmem:s12+$0x10];
	[tilespmem:s9+$0x10] =	vst v7;
	s10 =	sadd.s32 $0x40, s10  }
0x6b: {  	s11 =	sadd.s32 $0x4, s11;
	v7 =	vld [tilespmem:s10+$0x10];
	vm0 =	vgt.f32 v2, v5  }
0x6c: {  	p1 =	slt.u32 s11, $0x1FC;
	v9 =	vld [tilespmem:s10+$0xFFFFFFE0];
	v5 =	vsel vm0, $0x3F800000, v0  }
.Ltmp1:
0x6d: {  	v2 =	vld [tilespmem:s12+$0xFFFFFFF0];
	[tilespmem:s9+$0xFFFFFFF0] =	vst v5;
	vm0 =	vgt.f32 v1, v4;
	(pc) =	sbr.rel @p1 .LBB2_4-.Ltmp1, $4  }
0x6e: {  	v5 =	vld [tilespmem:s10+$0xFFFFFFF0];
	vm1 =	vgt.f32 v6, v3;
	v3 =	vsel vm0, $0x3F800000, v0  }
0x6f: {  	v1 =	vld [tilespmem:s12+$0x0];
	v6 =	vsel vm1, $0x3F800000, v0;
	[tilespmem:s9+$0x0] =	vst v3  }
0x70: {  	v4 =	vld [tilespmem:s10+$0x0];
	vm0 =	vgt.f32 v8, v7;
	[tilespmem:s9+$0xFFFFFFE0] =	vst v6  }
0x71: {  	s9 =	sadd.s32 $0x40, s9;
	v6 =	vld [tilespmem:s12+$0xFFFFFFE0];
	v7 =	vsel vm0, $0x3F800000, v0;
	s12 =	sadd.s32 $0x40, s12;
	v3 =	vmov v9  }
0x72: {  	_ =	sdelay $0x1  }
0x73: {  	vm0 =	vgt.f32 v2, v5  }
0x74: {  	[tilespmem:s9+$0x10] =	vst v7;
	v2 =	vsel vm0, $0x3F800000, v0;
	vm14 =	vgt.f32 v1, v4  }
0x75: {  	[tilespmem:s9+$0xFFFFFFF0] =	vst v2;
	vm1 =	vgt.f32 v6, v3;
	v1 =	vsel vm14, $0x3F800000, v0  }
0x76: {  	v2 =	vsel vm1, $0x3F800000, v0;
	[tilespmem:s9+$0x0] =	vst v1  }
0x77: {  	[tilespmem:s9+$0xFFFFFFE0] =	vst v2  }
0x78: {  	s9 =	rddreg [dreg:$0xe]  }
0x79: {  	[hbm4b:s9+s0] =	stream.linear.scatter [tilespmem:s6], [sflag:$0x4], $0x2000, $0x38;
	[tilespmem:$0x1F428] =	vst v63  }
0x7a: {  	_ =	swait.ge [sflag:s1], $0x2000  }
0x7b: {  	[sflag:s1] =	ssyncset.done $0x0  }
0x7c: {  	[sflag:s1] =	ssyncadd.s32 $0xFFFFE000  }
0x7d: {  	_ =	swait.ge [sflag:s2], $0x2000  }
0x7e: {  	[sflag:s2] =	ssyncset.done $0x0  }
0x7f: {  	[sflag:s2] =	ssyncadd.s32 $0xFFFFE000  }
0x80: {  	_ =	swait.ge [sflag:s22], $0x2000  }
0x81: {  	[sflag:s22] =	ssyncset.done $0x0  }
0x82: {  	[sflag:s22] =	ssyncadd.s32 $0xFFFFE000  }
0x83: {  	[tilespmem:s3], [sflag:$0x2] =	stream.indirect.gather [spmem:s25], $0x1, s30, s30, $0xb8;
	[tilespmem:$0x1F428] =	vst v63  }
0x84: {  	s11 =	rddreg [dreg:$0xf]  }
0x85: {  	[tilespmem:s4], [sflag:$0x3] =	stream.linear.gather [hbm4b:s11+s0], $0x2000, $0x38;
	[tilespmem:$0x1F428] =	vst v63  }
0x86: {  	s12 =	rddreg [dreg:$0x10]  }
0x87: {  	[tilespmem:s0], [sflag:$0x1] =	stream.linear.gather [hbm4b:s12+s0], $0x2000, $0x38;
	[tilespmem:$0x1F428] =	vst v63  }
0x88: {  	_ =	swait.ge [sflag:s7], $0x2000  }
0x89: {  	[sflag:s7] =	ssyncset.done $0x0  }
0x8a: {  	s12 =	simm.s32 $0x8020;
	[sflag:s7] =	ssyncadd.s32 $0xFFFFE000  }
0x8b: {  	s10 =	simm.s32 $0x4020;
	v6 =	vld [tilespmem:s12+$0x10]  }
0x8c: {  	v7 =	vld [tilespmem:s10+$0x10]  }
0x8d: {  	v3 =	vld [tilespmem:s10+$0xFFFFFFE0]  }
0x8e: {  	v2 =	vld [tilespmem:s12+$0xFFFFFFF0]  }
0x8f: {  	v5 =	vld [tilespmem:s10+$0xFFFFFFF0]  }
0x90: {  	v1 =	vld [tilespmem:s12+$0x0]  }
0x91: {  	v4 =	vld [tilespmem:s10+$0x0];
	vm15 =	vgt.f32 v6, v7  }
0x92: {  	s9 =	simm.s32 $0xC020;
	s11 =	simm.s32 $0x0;
	v6 =	vld [tilespmem:s12+$0xFFFFFFE0];
	s12 =	simm.s32 $0x8060;
	v7 =	vsel vm15, $0x3F800000, v0  }
.LBB2_6:
0x93: {  	v8 =	vld [tilespmem:s12+$0x10];
	[tilespmem:s9+$0x10] =	vst v7;
	s10 =	sadd.s32 $0x40, s10  }
0x94: {  	s11 =	sadd.s32 $0x4, s11;
	v7 =	vld [tilespmem:s10+$0x10];
	vm0 =	vgt.f32 v2, v5  }
0x95: {  	p1 =	slt.u32 s11, $0x1FC;
	v9 =	vld [tilespmem:s10+$0xFFFFFFE0];
	v5 =	vsel vm0, $0x3F800000, v0  }
.Ltmp2:
0x96: {  	v2 =	vld [tilespmem:s12+$0xFFFFFFF0];
	[tilespmem:s9+$0xFFFFFFF0] =	vst v5;
	vm0 =	vgt.f32 v1, v4;
	(pc) =	sbr.rel @p1 .LBB2_6-.Ltmp2, $4  }
0x97: {  	v5 =	vld [tilespmem:s10+$0xFFFFFFF0];
	vm1 =	vgt.f32 v6, v3;
	v3 =	vsel vm0, $0x3F800000, v0  }
0x98: {  	v1 =	vld [tilespmem:s12+$0x0];
	v6 =	vsel vm1, $0x3F800000, v0;
	[tilespmem:s9+$0x0] =	vst v3  }
0x99: {  	v4 =	vld [tilespmem:s10+$0x0];
	vm0 =	vgt.f32 v8, v7;
	[tilespmem:s9+$0xFFFFFFE0] =	vst v6  }
0x9a: {  	s9 =	sadd.s32 $0x40, s9;
	v6 =	vld [tilespmem:s12+$0xFFFFFFE0];
	v7 =	vsel vm0, $0x3F800000, v0;
	s12 =	sadd.s32 $0x40, s12;
	v3 =	vmov v9  }
0x9b: {  	_ =	sdelay $0x1  }
0x9c: {  	vm0 =	vgt.f32 v2, v5  }
0x9d: {  	[tilespmem:s9+$0x10] =	vst v7;
	v2 =	vsel vm0, $0x3F800000, v0;
	vm14 =	vgt.f32 v1, v4  }
0x9e: {  	[tilespmem:s9+$0xFFFFFFF0] =	vst v2;
	vm1 =	vgt.f32 v6, v3;
	v1 =	vsel vm14, $0x3F800000, v0  }
0x9f: {  	v2 =	vsel vm1, $0x3F800000, v0;
	[tilespmem:s9+$0x0] =	vst v1  }
0xa0: {  	[tilespmem:s9+$0xFFFFFFE0] =	vst v2  }
0xa1: {  	s9 =	rddreg [dreg:$0x11]  }
0xa2: {  	[hbm4b:s9+s0] =	stream.linear.scatter [tilespmem:s5], [sflag:$0x4], $0x2000, $0x38;
	[tilespmem:$0x1F428] =	vst v63  }
0xa3: {  	_ =	swait.ge [sflag:s1], $0x2000  }
0xa4: {  	[sflag:s1] =	ssyncset.done $0x0  }
0xa5: {  	[sflag:s1] =	ssyncadd.s32 $0xFFFFE000  }
0xa6: {  	_ =	swait.ge [sflag:s2], $0x2000  }
0xa7: {  	[sflag:s2] =	ssyncset.done $0x0  }
0xa8: {  	[sflag:s2] =	ssyncadd.s32 $0xFFFFE000  }
0xa9: {  	_ =	swait.ge [sflag:s22], $0x2000  }
0xaa: {  	[sflag:s22] =	ssyncset.done $0x0  }
0xab: {  	[sflag:s22] =	ssyncadd.s32 $0xFFFFE000  }
0xac: {  	[tilespmem:s21], [sflag:$0x2] =	stream.indirect.gather [spmem:s25], $0x1, s0, s30, $0xb8;
	[tilespmem:$0x1F428] =	vst v63  }
0xad: {  	_ = 	snop  }
0xae: {  	[tilespmem:s31], [sflag:$0x3] =	stream.linear.gather [hbm4b:s13+s0], $0x2000, $0x38;
	[tilespmem:$0x1F428] =	vst v63  }
0xaf: {  	_ = 	snop  }
0xb0: {  	[tilespmem:s30], [sflag:$0x1] =	stream.linear.gather [hbm4b:s14+s0], $0x2000, $0x38;
	[tilespmem:$0x1F428] =	vst v63  }
0xb1: {  	_ =	swait.ge [sflag:s7], $0x2000  }
0xb2: {  	[sflag:s7] =	ssyncset.done $0x0  }
0xb3: {  	s12 =	simm.s32 $0xA020;
	[sflag:s7] =	ssyncadd.s32 $0xFFFFE000  }
0xb4: {  	s10 =	simm.s32 $0x6020;
	v6 =	vld [tilespmem:s12+$0x10]  }
0xb5: {  	v7 =	vld [tilespmem:s10+$0x10]  }
0xb6: {  	v3 =	vld [tilespmem:s10+$0xFFFFFFE0]  }
0xb7: {  	v2 =	vld [tilespmem:s12+$0xFFFFFFF0]  }
0xb8: {  	v5 =	vld [tilespmem:s10+$0xFFFFFFF0]  }
0xb9: {  	v1 =	vld [tilespmem:s12+$0x0]  }
0xba: {  	v4 =	vld [tilespmem:s10+$0x0];
	vm15 =	vgt.f32 v6, v7  }
0xbb: {  	s11 =	simm.s32 $0x0;
	s9 =	simm.s32 $0xE020;
	v6 =	vld [tilespmem:s12+$0xFFFFFFE0];
	s12 =	simm.s32 $0xA060;
	v7 =	vsel vm15, $0x3F800000, v0  }
.LBB2_8:
0xbc: {  	v8 =	vld [tilespmem:s12+$0x10];
	[tilespmem:s9+$0x10] =	vst v7;
	s10 =	sadd.s32 $0x40, s10  }
0xbd: {  	s11 =	sadd.s32 $0x4, s11;
	v7 =	vld [tilespmem:s10+$0x10];
	vm0 =	vgt.f32 v2, v5  }
0xbe: {  	p1 =	slt.u32 s11, $0x1FC;
	v9 =	vld [tilespmem:s10+$0xFFFFFFE0];
	v5 =	vsel vm0, $0x3F800000, v0  }
.Ltmp3:
0xbf: {  	v2 =	vld [tilespmem:s12+$0xFFFFFFF0];
	[tilespmem:s9+$0xFFFFFFF0] =	vst v5;
	vm0 =	vgt.f32 v1, v4;
	(pc) =	sbr.rel @p1 .LBB2_8-.Ltmp3, $4  }
0xc0: {  	v5 =	vld [tilespmem:s10+$0xFFFFFFF0];
	vm1 =	vgt.f32 v6, v3;
	v3 =	vsel vm0, $0x3F800000, v0  }
0xc1: {  	v1 =	vld [tilespmem:s12+$0x0];
	v6 =	vsel vm1, $0x3F800000, v0;
	[tilespmem:s9+$0x0] =	vst v3  }
0xc2: {  	v4 =	vld [tilespmem:s10+$0x0];
	vm0 =	vgt.f32 v8, v7;
	[tilespmem:s9+$0xFFFFFFE0] =	vst v6  }
0xc3: {  	s9 =	sadd.s32 $0x40, s9;
	v6 =	vld [tilespmem:s12+$0xFFFFFFE0];
	v7 =	vsel vm0, $0x3F800000, v0;
	s12 =	sadd.s32 $0x40, s12;
	v3 =	vmov v9  }
0xc4: {  	_ =	sdelay $0x1  }
0xc5: {  	vm0 =	vgt.f32 v2, v5  }
0xc6: {  	[tilespmem:s9+$0x10] =	vst v7;
	v2 =	vsel vm0, $0x3F800000, v0;
	vm14 =	vgt.f32 v1, v4  }
0xc7: {  	[tilespmem:s9+$0xFFFFFFF0] =	vst v2;
	vm1 =	vgt.f32 v6, v3;
	v1 =	vsel vm14, $0x3F800000, v0  }
0xc8: {  	v2 =	vsel vm1, $0x3F800000, v0;
	[tilespmem:s9+$0x0] =	vst v1  }
0xc9: {  	[tilespmem:s9+$0xFFFFFFE0] =	vst v2  }
0xca: {  	[hbm4b:s15+s0] =	stream.linear.scatter [tilespmem:s6], [sflag:$0x4], $0x2000, $0x38;
	[tilespmem:$0x1F428] =	vst v63  }
0xcb: {  	_ =	swait.ge [sflag:s1], $0x2000  }
0xcc: {  	[sflag:s1] =	ssyncset.done $0x0  }
0xcd: {  	[sflag:s1] =	ssyncadd.s32 $0xFFFFE000  }
0xce: {  	_ =	swait.ge [sflag:s2], $0x2000  }
0xcf: {  	[sflag:s2] =	ssyncset.done $0x0  }
0xd0: {  	[sflag:s2] =	ssyncadd.s32 $0xFFFFE000  }
0xd1: {  	_ =	swait.ge [sflag:s22], $0x2000  }
0xd2: {  	[sflag:s22] =	ssyncset.done $0x0  }
0xd3: {  	[sflag:s22] =	ssyncadd.s32 $0xFFFFE000  }
0xd4: {  	[tilespmem:s3], [sflag:$0x2] =	stream.indirect.gather [spmem:s25], $0x1, s30, s30, $0xb8;
	[tilespmem:$0x1F428] =	vst v63  }
0xd5: {  	_ = 	snop  }
0xd6: {  	[tilespmem:s4], [sflag:$0x3] =	stream.linear.gather [hbm4b:s19+s0], $0x2000, $0x38;
	[tilespmem:$0x1F428] =	vst v63  }
0xd7: {  	_ = 	snop  }
0xd8: {  	[tilespmem:s0], [sflag:$0x1] =	stream.linear.gather [hbm4b:s16+s0], $0x2000, $0x38;
	[tilespmem:$0x1F428] =	vst v63  }
0xd9: {  	_ =	swait.ge [sflag:s7], $0x2000  }
0xda: {  	[sflag:s7] =	ssyncset.done $0x0  }
0xdb: {  	s12 =	simm.s32 $0x8020;
	[sflag:s7] =	ssyncadd.s32 $0xFFFFE000  }
0xdc: {  	s10 =	simm.s32 $0x4020;
	v6 =	vld [tilespmem:s12+$0x10]  }
0xdd: {  	v7 =	vld [tilespmem:s10+$0x10]  }
0xde: {  	v3 =	vld [tilespmem:s10+$0xFFFFFFE0]  }
0xdf: {  	v2 =	vld [tilespmem:s12+$0xFFFFFFF0]  }
0xe0: {  	v5 =	vld [tilespmem:s10+$0xFFFFFFF0]  }
0xe1: {  	v1 =	vld [tilespmem:s12+$0x0]  }
0xe2: {  	v4 =	vld [tilespmem:s10+$0x0];
	vm15 =	vgt.f32 v6, v7  }
0xe3: {  	s11 =	simm.s32 $0x0;
	s9 =	simm.s32 $0xC020;
	v6 =	vld [tilespmem:s12+$0xFFFFFFE0];
	s12 =	simm.s32 $0x8060;
	v7 =	vsel vm15, $0x3F800000, v0  }
.LBB2_10:
0xe4: {  	v8 =	vld [tilespmem:s12+$0x10];
	[tilespmem:s9+$0x10] =	vst v7;
	s10 =	sadd.s32 $0x40, s10  }
0xe5: {  	s11 =	sadd.s32 $0x4, s11;
	v7 =	vld [tilespmem:s10+$0x10];
	vm0 =	vgt.f32 v2, v5  }
0xe6: {  	p1 =	slt.u32 s11, $0x1FC;
	v9 =	vld [tilespmem:s10+$0xFFFFFFE0];
	v5 =	vsel vm0, $0x3F800000, v0  }
.Ltmp4:
0xe7: {  	v2 =	vld [tilespmem:s12+$0xFFFFFFF0];
	[tilespmem:s9+$0xFFFFFFF0] =	vst v5;
	vm0 =	vgt.f32 v1, v4;
	(pc) =	sbr.rel @p1 .LBB2_10-.Ltmp4, $4  }
0xe8: {  	v5 =	vld [tilespmem:s10+$0xFFFFFFF0];
	vm1 =	vgt.f32 v6, v3;
	v3 =	vsel vm0, $0x3F800000, v0  }
0xe9: {  	v1 =	vld [tilespmem:s12+$0x0];
	v6 =	vsel vm1, $0x3F800000, v0;
	[tilespmem:s9+$0x0] =	vst v3  }
0xea: {  	v4 =	vld [tilespmem:s10+$0x0];
	vm0 =	vgt.f32 v8, v7;
	[tilespmem:s9+$0xFFFFFFE0] =	vst v6  }
0xeb: {  	s9 =	sadd.s32 $0x40, s9;
	v6 =	vld [tilespmem:s12+$0xFFFFFFE0];
	v7 =	vsel vm0, $0x3F800000, v0;
	s12 =	sadd.s32 $0x40, s12;
	v3 =	vmov v9  }
0xec: {  	_ =	sdelay $0x1  }
0xed: {  	vm0 =	vgt.f32 v2, v5  }
0xee: {  	[tilespmem:s9+$0x10] =	vst v7;
	v2 =	vsel vm0, $0x3F800000, v0;
	vm14 =	vgt.f32 v1, v4  }
0xef: {  	[tilespmem:s9+$0xFFFFFFF0] =	vst v2;
	vm1 =	vgt.f32 v6, v3;
	v1 =	vsel vm14, $0x3F800000, v0  }
0xf0: {  	v2 =	vsel vm1, $0x3F800000, v0;
	[tilespmem:s9+$0x0] =	vst v1  }
0xf1: {  	[tilespmem:s9+$0xFFFFFFE0] =	vst v2  }
0xf2: {  	[hbm4b:s17+s0] =	stream.linear.scatter [tilespmem:s5], [sflag:$0x4], $0x2000, $0x38;
	[tilespmem:$0x1F428] =	vst v63  }
0xf3: {  	_ =	swait.ge [sflag:s1], $0x2000  }
0xf4: {  	[sflag:s1] =	ssyncset.done $0x0  }
0xf5: {  	[sflag:s1] =	ssyncadd.s32 $0xFFFFE000  }
0xf6: {  	_ =	swait.ge [sflag:s2], $0x2000  }
0xf7: {  	[sflag:s2] =	ssyncset.done $0x0  }
0xf8: {  	[sflag:s2] =	ssyncadd.s32 $0xFFFFE000  }
0xf9: {  	_ =	swait.ge [sflag:s22], $0x2000  }
0xfa: {  	[sflag:s22] =	ssyncset.done $0x0  }
0xfb: {  	[sflag:s22] =	ssyncadd.s32 $0xFFFFE000  }
0xfc: {  	[tilespmem:s21], [sflag:$0x2] =	stream.indirect.gather [spmem:s25], $0x1, s0, s30, $0xb8;
	[tilespmem:$0x1F428] =	vst v63  }
0xfd: {  	_ = 	snop  }
0xfe: {  	[tilespmem:s31], [sflag:$0x3] =	stream.linear.gather [hbm4b:s23+s0], $0x2000, $0x38;
	[tilespmem:$0x1F428] =	vst v63  }
0xff: {  	_ = 	snop  }
0x100: {  	[tilespmem:s30], [sflag:$0x1] =	stream.linear.gather [hbm4b:s18+s0], $0x2000, $0x38;
	[tilespmem:$0x1F428] =	vst v63  }
0x101: {  	_ =	swait.ge [sflag:s7], $0x2000  }
0x102: {  	[sflag:s7] =	ssyncset.done $0x0  }
0x103: {  	s12 =	simm.s32 $0xA020;
	[sflag:s7] =	ssyncadd.s32 $0xFFFFE000  }
0x104: {  	s10 =	simm.s32 $0x6020;
	v6 =	vld [tilespmem:s12+$0x10]  }
0x105: {  	v7 =	vld [tilespmem:s10+$0x10]  }
0x106: {  	v3 =	vld [tilespmem:s10+$0xFFFFFFE0]  }
0x107: {  	v2 =	vld [tilespmem:s12+$0xFFFFFFF0]  }
0x108: {  	v5 =	vld [tilespmem:s10+$0xFFFFFFF0]  }
0x109: {  	v1 =	vld [tilespmem:s12+$0x0]  }
0x10a: {  	v4 =	vld [tilespmem:s10+$0x0];
	vm15 =	vgt.f32 v6, v7  }
0x10b: {  	s11 =	simm.s32 $0x0;
	s9 =	simm.s32 $0xE020;
	v6 =	vld [tilespmem:s12+$0xFFFFFFE0];
	s12 =	simm.s32 $0xA060;
	v7 =	vsel vm15, $0x3F800000, v0  }
.LBB2_12:
0x10c: {  	v8 =	vld [tilespmem:s12+$0x10];
	[tilespmem:s9+$0x10] =	vst v7;
	s10 =	sadd.s32 $0x40, s10  }
0x10d: {  	s11 =	sadd.s32 $0x4, s11;
	v7 =	vld [tilespmem:s10+$0x10];
	vm0 =	vgt.f32 v2, v5  }
0x10e: {  	p1 =	slt.u32 s11, $0x1FC;
	v9 =	vld [tilespmem:s10+$0xFFFFFFE0];
	v5 =	vsel vm0, $0x3F800000, v0  }
.Ltmp5:
0x10f: {  	v2 =	vld [tilespmem:s12+$0xFFFFFFF0];
	[tilespmem:s9+$0xFFFFFFF0] =	vst v5;
	vm0 =	vgt.f32 v1, v4;
	(pc) =	sbr.rel @p1 .LBB2_12-.Ltmp5, $4  }
0x110: {  	v5 =	vld [tilespmem:s10+$0xFFFFFFF0];
	vm1 =	vgt.f32 v6, v3;
	v3 =	vsel vm0, $0x3F800000, v0  }
0x111: {  	v1 =	vld [tilespmem:s12+$0x0];
	v6 =	vsel vm1, $0x3F800000, v0;
	[tilespmem:s9+$0x0] =	vst v3  }
0x112: {  	v4 =	vld [tilespmem:s10+$0x0];
	vm0 =	vgt.f32 v8, v7;
	[tilespmem:s9+$0xFFFFFFE0] =	vst v6  }
0x113: {  	s9 =	sadd.s32 $0x40, s9;
	v6 =	vld [tilespmem:s12+$0xFFFFFFE0];
	v7 =	vsel vm0, $0x3F800000, v0;
	s12 =	sadd.s32 $0x40, s12;
	v3 =	vmov v9  }
0x114: {  	_ =	sdelay $0x1  }
0x115: {  	vm0 =	vgt.f32 v2, v5  }
0x116: {  	[tilespmem:s9+$0x10] =	vst v7;
	v2 =	vsel vm0, $0x3F800000, v0;
	vm14 =	vgt.f32 v1, v4  }
0x117: {  	[tilespmem:s9+$0xFFFFFFF0] =	vst v2;
	vm1 =	vgt.f32 v6, v3;
	v1 =	vsel vm14, $0x3F800000, v0  }
0x118: {  	v2 =	vsel vm1, $0x3F800000, v0;
	[tilespmem:s9+$0x0] =	vst v1  }
0x119: {  	[tilespmem:s9+$0xFFFFFFE0] =	vst v2  }
0x11a: {  	[hbm4b:s20+s0] =	stream.linear.scatter [tilespmem:s6], [sflag:$0x4], $0x2000, $0x38;
	[tilespmem:$0x1F428] =	vst v63  }
0x11b: {  	_ =	swait.ge [sflag:s1], $0x2000  }
0x11c: {  	[sflag:s1] =	ssyncset.done $0x0  }
0x11d: {  	[sflag:s1] =	ssyncadd.s32 $0xFFFFE000  }
0x11e: {  	_ =	swait.ge [sflag:s2], $0x2000  }
0x11f: {  	[sflag:s2] =	ssyncset.done $0x0  }
0x120: {  	[sflag:s2] =	ssyncadd.s32 $0xFFFFE000  }
0x121: {  	_ =	swait.ge [sflag:s22], $0x2000  }
0x122: {  	[sflag:s22] =	ssyncset.done $0x0  }
0x123: {  	[sflag:s22] =	ssyncadd.s32 $0xFFFFE000  }
0x124: {  	[tilespmem:s3], [sflag:$0x2] =	stream.indirect.gather [spmem:s25], $0x1, s30, s30, $0xb8;
	[tilespmem:$0x1F428] =	vst v63  }
0x125: {  	_ = 	snop  }
0x126: {  	[tilespmem:s4], [sflag:$0x3] =	stream.linear.gather [hbm4b:s24+s0], $0x2000, $0x38;
	[tilespmem:$0x1F428] =	vst v63  }
0x127: {  	_ =	swait.ge [sflag:s7], $0x2000  }
0x128: {  	[sflag:s7] =	ssyncset.done $0x0  }
0x129: {  	s12 =	simm.s32 $0x8020;
	[sflag:s7] =	ssyncadd.s32 $0xFFFFE000  }
0x12a: {  	s10 =	simm.s32 $0x4020;
	v6 =	vld [tilespmem:s12+$0x10]  }
0x12b: {  	v7 =	vld [tilespmem:s10+$0x10]  }
0x12c: {  	v3 =	vld [tilespmem:s10+$0xFFFFFFE0]  }
0x12d: {  	v2 =	vld [tilespmem:s12+$0xFFFFFFF0]  }
0x12e: {  	v5 =	vld [tilespmem:s10+$0xFFFFFFF0]  }
0x12f: {  	v1 =	vld [tilespmem:s12+$0x0]  }
0x130: {  	v4 =	vld [tilespmem:s10+$0x0];
	vm15 =	vgt.f32 v6, v7  }
0x131: {  	s11 =	simm.s32 $0x0;
	s9 =	simm.s32 $0xC020;
	v6 =	vld [tilespmem:s12+$0xFFFFFFE0];
	s12 =	simm.s32 $0x8060;
	v7 =	vsel vm15, $0x3F800000, v0  }
.LBB2_14:
0x132: {  	v8 =	vld [tilespmem:s12+$0x10];
	[tilespmem:s9+$0x10] =	vst v7;
	s10 =	sadd.s32 $0x40, s10  }
0x133: {  	s11 =	sadd.s32 $0x4, s11;
	v7 =	vld [tilespmem:s10+$0x10];
	vm0 =	vgt.f32 v2, v5  }
0x134: {  	p1 =	slt.u32 s11, $0x1FC;
	v9 =	vld [tilespmem:s10+$0xFFFFFFE0];
	v5 =	vsel vm0, $0x3F800000, v0  }
.Ltmp6:
0x135: {  	v2 =	vld [tilespmem:s12+$0xFFFFFFF0];
	[tilespmem:s9+$0xFFFFFFF0] =	vst v5;
	vm0 =	vgt.f32 v1, v4;
	(pc) =	sbr.rel @p1 .LBB2_14-.Ltmp6, $4  }
0x136: {  	v5 =	vld [tilespmem:s10+$0xFFFFFFF0];
	vm1 =	vgt.f32 v6, v3;
	v3 =	vsel vm0, $0x3F800000, v0  }
0x137: {  	v1 =	vld [tilespmem:s12+$0x0];
	v6 =	vsel vm1, $0x3F800000, v0;
	[tilespmem:s9+$0x0] =	vst v3  }
0x138: {  	v4 =	vld [tilespmem:s10+$0x0];
	vm0 =	vgt.f32 v8, v7;
	[tilespmem:s9+$0xFFFFFFE0] =	vst v6  }
0x139: {  	s9 =	sadd.s32 $0x40, s9;
	v6 =	vld [tilespmem:s12+$0xFFFFFFE0];
	v7 =	vsel vm0, $0x3F800000, v0;
	s12 =	sadd.s32 $0x40, s12;
	v3 =	vmov v9  }
0x13a: {  	_ =	sdelay $0x1  }
0x13b: {  	vm0 =	vgt.f32 v2, v5  }
0x13c: {  	[tilespmem:s9+$0x10] =	vst v7;
	v2 =	vsel vm0, $0x3F800000, v0;
	vm14 =	vgt.f32 v1, v4  }
0x13d: {  	[tilespmem:s9+$0xFFFFFFF0] =	vst v2;
	vm1 =	vgt.f32 v6, v3;
	v1 =	vsel vm14, $0x3F800000, v0  }
0x13e: {  	v2 =	vsel vm1, $0x3F800000, v0;
	[tilespmem:s9+$0x0] =	vst v1  }
0x13f: {  	[tilespmem:s9+$0xFFFFFFE0] =	vst v2  }
0x140: {  	[hbm4b:s26+s0] =	stream.linear.scatter [tilespmem:s5], [sflag:$0x4], $0x2000, $0x38;
	[tilespmem:$0x1F428] =	vst v63  }
0x141: {  	_ =	swait.ge [sflag:s1], $0x2000  }
0x142: {  	[sflag:s1] =	ssyncset.done $0x0  }
0x143: {  	[sflag:s1] =	ssyncadd.s32 $0xFFFFE000  }
0x144: {  	_ =	swait.ge [sflag:s2], $0x2000  }
0x145: {  	[sflag:s2] =	ssyncset.done $0x0  }
0x146: {  	[sflag:s2] =	ssyncadd.s32 $0xFFFFE000  }
0x147: {  	_ =	swait.ge [sflag:s7], $0x2000  }
0x148: {  	[sflag:s7] =	ssyncset.done $0x0  }
0x149: {  	s12 =	simm.s32 $0xA020;
	[sflag:s7] =	ssyncadd.s32 $0xFFFFE000  }
0x14a: {  	s10 =	simm.s32 $0x6020;
	v6 =	vld [tilespmem:s12+$0x10]  }
0x14b: {  	v7 =	vld [tilespmem:s10+$0x10]  }
0x14c: {  	v3 =	vld [tilespmem:s10+$0xFFFFFFE0]  }
0x14d: {  	v2 =	vld [tilespmem:s12+$0xFFFFFFF0]  }
0x14e: {  	v5 =	vld [tilespmem:s10+$0xFFFFFFF0]  }
0x14f: {  	v1 =	vld [tilespmem:s12+$0x0]  }
0x150: {  	v4 =	vld [tilespmem:s10+$0x0];
	vm15 =	vgt.f32 v6, v7  }
0x151: {  	s11 =	simm.s32 $0x0;
	s9 =	simm.s32 $0xE020;
	v6 =	vld [tilespmem:s12+$0xFFFFFFE0];
	s12 =	simm.s32 $0xA060;
	v7 =	vsel vm15, $0x3F800000, v0  }
.LBB2_16:
0x152: {  	v8 =	vld [tilespmem:s12+$0x10];
	[tilespmem:s9+$0x10] =	vst v7;
	s10 =	sadd.s32 $0x40, s10  }
0x153: {  	s11 =	sadd.s32 $0x4, s11;
	v7 =	vld [tilespmem:s10+$0x10];
	vm0 =	vgt.f32 v2, v5  }
0x154: {  	p1 =	slt.u32 s11, $0x1FC;
	v9 =	vld [tilespmem:s10+$0xFFFFFFE0];
	v5 =	vsel vm0, $0x3F800000, v0  }
.Ltmp7:
0x155: {  	v2 =	vld [tilespmem:s12+$0xFFFFFFF0];
	[tilespmem:s9+$0xFFFFFFF0] =	vst v5;
	vm0 =	vgt.f32 v1, v4;
	(pc) =	sbr.rel @p1 .LBB2_16-.Ltmp7, $4  }
0x156: {  	v5 =	vld [tilespmem:s10+$0xFFFFFFF0];
	vm1 =	vgt.f32 v6, v3;
	v3 =	vsel vm0, $0x3F800000, v0  }
0x157: {  	v1 =	vld [tilespmem:s12+$0x0];
	v6 =	vsel vm1, $0x3F800000, v0;
	[tilespmem:s9+$0x0] =	vst v3  }
0x158: {  	v4 =	vld [tilespmem:s10+$0x0];
	vm0 =	vgt.f32 v8, v7;
	[tilespmem:s9+$0xFFFFFFE0] =	vst v6  }
0x159: {  	s9 =	sadd.s32 $0x40, s9;
	v6 =	vld [tilespmem:s12+$0xFFFFFFE0];
	v7 =	vsel vm0, $0x3F800000, v0;
	s12 =	sadd.s32 $0x40, s12;
	v3 =	vmov v9  }
0x15a: {  	_ =	sdelay $0x1  }
0x15b: {  	vm0 =	vgt.f32 v2, v5  }
0x15c: {  	[tilespmem:s9+$0x10] =	vst v7;
	v2 =	vsel vm0, $0x3F800000, v0;
	vm15 =	vgt.f32 v1, v4  }
0x15d: {  	[tilespmem:s9+$0xFFFFFFF0] =	vst v2;
	vm1 =	vgt.f32 v6, v3;
	v1 =	vsel vm15, $0x3F800000, v0  }
0x15e: {  	v2 =	vsel vm1, $0x3F800000, v0;
	[tilespmem:s9+$0x0] =	vst v1  }
0x15f: {  	s8 =	sadd.s32 $0x1, s8;
	[tilespmem:s9+$0xFFFFFFE0] =	vst v2  }
0x160: {  	[hbm4b:s28+s0] =	stream.linear.scatter [tilespmem:s6], [sflag:$0x4], $0x2000, $0x38;
	[tilespmem:$0x1F428] =	vst v63  }
0x161: {  	p1 =	sne.s32 s8, s29;
	_ =	swait.ge [sflag:s7], $0x2000  }
.Ltmp8:
0x162: {  	[sflag:s7] =	ssyncset.done $0x0;
	(pc) =	sbr.rel @p1 .LBB2_1-.Ltmp8, $4  }
0x163: {  	[sflag:s7] =	ssyncadd.s32 $0xFFFFE000  }
0x164: {  	_ =	swait.ge [sflag:s7], $0x2000  }
0x165: {  	[sflag:s7] =	ssyncset.done $0x0  }
0x166: {  	[sflag:s7] =	ssyncadd.s32 $0xFFFFE000  }
0x167: {  	_ =	sfence.sel $0x180000  }
0x168: {  	[bflag:$0x0] =	sbarrier.arrive $0xFFFF  }
0x169: {  	_ =	strace $0x90000047  }
0x16a: {  	[bflag:$0x2] =	sbarrier.arrive $0xFFFF  }
0x16b: {  	s0 =	rddreg [dreg:$0x5]  }
0x16c: {  	s0 =	sadd.s32 @!p0 $0x100000, s0  }
0x16d: {  	[sflag:s0] =	ssyncadd.tile.s32 @!p0 $0x1;
	_ =	shalt  }
.Lfunc_end2:
_tile_overlayer_lowered:
.L_overlay_start_2:
0x16e: {  	(tag) =	ssettag $0x2  }
0x16f: {  	s0 =	rddreg [dreg:$0x0];
	s2 =	stileid.u32  }
0x170: {  	s1 =	rddreg [dreg:$0x1];
	p0 =	sne.s32 s2, $0x0  }
0x171: {  	s3 =	rddreg [dreg:$0x2];
	[bflag:$0x3] =	sbarrier.arrive $0xFFFF;
	s2 =	simm.s32 @!p0 $0x1C05  }
0x172: {  	[timem:s3], [sflag:s2] =	dma.local @!p0 [hbm:s0], s1  }
0x173: {  	s0 =	simm.s32 @!p0 $0x5  }
0x174: {  	_ =	swait.ge @!p0 [sflag:s0], s1  }
0x175: {  	s1 =	ssub.s32 @!p0 $0x0, s1;
	[sflag:s0] =	ssyncset.done @!p0 $0x0  }
0x176: {  	[sflag:s0] =	ssyncadd.s32 @!p0 s1  }
0x177: {  	[bflag:$0x3] =	sbarrier.arrive $0xFFFF  }
0x178: {  	_ =	shalt  }

</sc_bundles>
